<compile_context>
chip_gen: v7x
topology: tpu7x:2x2x1
jax: 0.10.2.dev20260603
libtpu: 0.0.44.dev20260713+nightly
codegen_flags: <defaults>
</compile_context>

<pallas_src>
import functools

import jax
import jax.numpy as jnp
from jax import lax
from jax.experimental import pallas as pl
from jax.experimental.pallas import tpu as pltpu
from jax.experimental.pallas import tpu_sc as plsc

HID = 768
EPS = 1e-12


def _build_gather(total_tokens, nw, ch):
    tok_per_w = total_tokens // nw
    nchunks = tok_per_w // ch
    mesh = plsc.VectorSubcoreMesh(core_axis_name="c", subcore_axis_name="s")

    @functools.partial(
        pl.kernel,
        mesh=mesh,
        compiler_params=pltpu.CompilerParams(needs_layout_passes=False),
        out_type=jax.ShapeDtypeStruct((total_tokens, HID), jnp.float32),
        scratch_types=[
            pltpu.VMEM((tok_per_w,), jnp.int32),
            pltpu.VMEM((4, ch, HID), jnp.float32),
            pltpu.SemaphoreType.DMA,
            pltpu.SemaphoreType.DMA,
            pltpu.SemaphoreType.DMA,
            pltpu.SemaphoreType.DMA,
            pltpu.SemaphoreType.DMA,
            pltpu.SemaphoreType.DMA,
            pltpu.SemaphoreType.DMA,
            pltpu.SemaphoreType.DMA,
        ],
    )
    def gather_kernel(ids_hbm, wemb_hbm, raw_out, idx_v, a_v,
                      sg0, sg1, sg2, sg3, sw0, sw1, sw2, sw3):
        wid = lax.axis_index("s") * 2 + lax.axis_index("c")
        w0 = wid * tok_per_w
        sg = (sg0, sg1, sg2, sg3)
        sw = (sw0, sw1, sw2, sw3)

        pltpu.sync_copy(ids_hbm.at[pl.ds(w0, tok_per_w)], idx_v)

        def gather(cix, b):
            return pltpu.make_async_copy(
                wemb_hbm.at[idx_v.at[pl.ds(cix * ch, ch)]], a_v.at[b], sg[b])

        def write(cix, b):
            return pltpu.make_async_copy(
                a_v.at[b], raw_out.at[pl.ds(w0 + cix * ch, ch)], sw[b])

        for b in range(4):
            gather(b, b).start()

        def step(k, _):
            for b in range(4):
                cix = 4 * k + b
                gather(cix, b).wait()
                write(cix, b).start()

                @pl.when(k < nchunks // 4 - 1)
                def _():
                    write(cix, b).wait()
                    gather(cix + 4, b).start()

                @pl.when(k == nchunks // 4 - 1)
                def _():
                    write(cix, b).wait()
            return 0

        lax.fori_loop(0, nchunks // 4, step, 0)

    return gather_kernel


def _ln_block(raw_ref, pos_ref, tt_ref, temb_ref, gamma_ref, beta_ref,
              emb_ref):
    posq = pos_ref[...] + temb_ref[0, :][None, :]
    td = (temb_ref[1, :] - temb_ref[0, :])[None, None, :]
    ttf = tt_ref[0].astype(jnp.float32)
    x = (raw_ref[...] + posq[None, :, :]
         + ttf[:, :, None] * td)
    mean = jnp.mean(x, axis=-1, keepdims=True)
    xc = x - mean
    var = jnp.mean(xc * xc, axis=-1, keepdims=True)
    y = xc * lax.rsqrt(var + EPS)
    emb_ref[...] = y * gamma_ref[0][None, None, :] + beta_ref[0][None, None, :]


def _ln_tc(raw3, pos_emb, tt3, type_emb, gamma, beta, bsz, seq_len, sb):
    nblk = seq_len // sb
    return pl.pallas_call(
        _ln_block,
        grid=(nblk,),
        in_specs=[
            pl.BlockSpec((bsz, sb, HID), lambda i: (0, i, 0)),
            pl.BlockSpec((sb, HID), lambda i: (i, 0)),
            pl.BlockSpec((1, bsz, sb), lambda i: (i, 0, 0)),
            pl.BlockSpec((2, HID), lambda i: (0, 0)),
            pl.BlockSpec((1, HID), lambda i: (0, 0)),
            pl.BlockSpec((1, HID), lambda i: (0, 0)),
        ],
        out_specs=pl.BlockSpec((bsz, sb, HID), lambda i: (0, i, 0)),
        out_shape=jax.ShapeDtypeStruct((bsz, seq_len, HID), jnp.float32),
    )(raw3, pos_emb, tt3, type_emb, gamma, beta)


def kernel(input_ids, token_type_ids, word_emb, pos_emb, type_emb, gamma, beta):
    bsz, seq_len = input_ids.shape
    total = bsz * seq_len
    sb = 512
    ids = input_ids.reshape(total).astype(jnp.int32)
    gather = _build_gather(total, nw=32, ch=32)
    raw = gather(ids, word_emb)
    raw3 = raw.reshape(bsz, seq_len, HID)
    tt3 = jnp.transpose(
        token_type_ids.astype(jnp.int32).reshape(bsz, seq_len // sb, sb),
        (1, 0, 2))
    emb = _ln_tc(raw3, pos_emb, tt3, type_emb, gamma.reshape(1, HID),
                 beta.reshape(1, HID), bsz, seq_len, sb)
    return (emb, raw3)

# --- scband reference (transcript-rebuilt; emitter-appended) ---
"""Pipeline reference for scband-bert-embeddings-16621523436016 (READ-ONLY COPY).

The authoritative reference and input builder live on the scoring server;
editing this copy changes nothing except your own understanding.
"""

import jax, jax.numpy as jnp
import numpy as np

VOCAB = 100000
HID = 768
MAXPOS = 2048
TYPES = 2
B = 4
S = 2048
EPS = 1e-12


def setup_inputs(seed: int = 0) -> dict:
    key = jax.random.key(seed)
    ks = jax.random.split(key, 6)
    input_ids = jax.random.randint(ks[0], (B, S), 0, VOCAB, dtype=jnp.int64 if jax.config.jax_enable_x64 else jnp.int32)
    token_type_ids = jax.random.randint(ks[1], (B, S), 0, TYPES, dtype=jnp.int64 if jax.config.jax_enable_x64 else jnp.int32)
    word_emb = jax.random.normal(ks[2], (VOCAB, HID), dtype=jnp.float32) * 0.02
    word_emb = word_emb.at[0].set(0.0)  # padding_idx=0 row initialized to zero like torch
    pos_emb = jax.random.normal(ks[3], (MAXPOS, HID), dtype=jnp.float32) * 0.02
    type_emb = jax.random.normal(ks[4], (TYPES, HID), dtype=jnp.float32) * 0.02
    gamma = jnp.ones((HID,), dtype=jnp.float32)
    beta = jnp.zeros((HID,), dtype=jnp.float32)
    return {
        "input_ids": input_ids,
        "token_type_ids": token_type_ids,
        "word_emb": word_emb,
        "pos_emb": pos_emb,
        "type_emb": type_emb,
        "gamma": gamma,
        "beta": beta,
    }


def reference(input_ids, token_type_ids, word_emb, pos_emb, type_emb, gamma, beta):
    seq_len = input_ids.shape[1]
    # word embedding lookup (gather)
    inputs_embeds = jnp.take(word_emb, input_ids, axis=0)
    # token type embedding lookup (gather)
    token_type_embeddings = jnp.take(type_emb, token_type_ids, axis=0)
    embeddings = inputs_embeds + token_type_embeddings
    # absolute position embeddings: position_ids = arange(seq_len)
    position_embeddings = pos_emb[:seq_len][None, :, :]
    embeddings = embeddings + position_embeddings
    # LayerNorm over last dim
    mean = jnp.mean(embeddings, axis=-1, keepdims=True)
    var = jnp.mean((embeddings - mean) ** 2, axis=-1, keepdims=True)
    embeddings = (embeddings - mean) / jnp.sqrt(var + EPS) * gamma + beta
    # dropout p=0.0 -> identity
    return (embeddings, inputs_embeds)

if __name__ == "__main__":
    import jax
    _d = setup_inputs()
    print(jax.jit(kernel)(*tuple(_d.values())))

</pallas_src>

<mosaic_0001>
#map = affine_map<(d0, d1) -> (0)>
#map1 = affine_map<(d0, d1) -> (0, 0)>
module attributes {stable_mosaic.version = 14 : i64} {
  func.func @gather_kernel(%arg0: i32, %arg1: i32, %arg2: memref<8192xi32, #tpu.memory_space<hbm>>, %arg3: memref<100000x768xf32, #tpu.memory_space<hbm>>, %arg4: memref<8192x768xf32, #tpu.memory_space<hbm>>, %arg5: memref<256xi32, #tpu.memory_space<vmem>>, %arg6: memref<4x32x768xf32, #tpu.memory_space<vmem>>, %arg7: memref<!tpu.dma_semaphore, #tpu.memory_space<semaphore_mem>>, %arg8: memref<!tpu.dma_semaphore, #tpu.memory_space<semaphore_mem>>, %arg9: memref<!tpu.dma_semaphore, #tpu.memory_space<semaphore_mem>>, %arg10: memref<!tpu.dma_semaphore, #tpu.memory_space<semaphore_mem>>, %arg11: memref<!tpu.dma_semaphore, #tpu.memory_space<semaphore_mem>>, %arg12: memref<!tpu.dma_semaphore, #tpu.memory_space<semaphore_mem>>, %arg13: memref<!tpu.dma_semaphore, #tpu.memory_space<semaphore_mem>>, %arg14: memref<!tpu.dma_semaphore, #tpu.memory_space<semaphore_mem>>) attributes {dimension_semantics = [#tpu.dimension_semantics<core_parallel>, #tpu.dimension_semantics<subcore_parallel>], iteration_bounds = array<i64: 2, 16>, scalar_prefetch = 0 : i64, scratch_operands = 10 : i64, tpu.core_type = #tpu.core_type<sc_vector_subcore>, window_params = [{transform_indices = #map}, {transform_indices = #map1}, {transform_indices = #map1}]} {
    %mul3A = arith.constant 2 : i32
    %mul3A_0 = arith.muli %arg1, %mul3A : i32
    %add3A = arith.addi %mul3A_0, %arg0 : i32
    %mul3A_1 = arith.constant 256 : i32
    %mul3A_2 = arith.muli %add3A, %mul3A_1 : i32
    "tpu.region"() ({
      %run_scoped3A = tpu.sem_alloc : memref<!tpu.dma_semaphore, #tpu.memory_space<semaphore_mem>>
      %dma_start3A_48 = tpu.memref_slice %arg2[%mul3A_2] : memref<8192xi32, #tpu.memory_space<hbm>> -> memref<256xi32, #tpu.memory_space<hbm>>
      %dma_start3A_49 = tpu.memref_slice %arg2[%mul3A_2] : memref<8192xi32, #tpu.memory_space<hbm>> -> memref<256xi32, #tpu.memory_space<hbm>>
      tpu.enqueue_dma source(%dma_start3A_49 : memref<256xi32, #tpu.memory_space<hbm>>) target(%arg5 : memref<256xi32, #tpu.memory_space<vmem>>) target_semaphore(%run_scoped3A : memref<!tpu.dma_semaphore, #tpu.memory_space<semaphore_mem>>)
      %dma_wait3A = tpu.memref_slice %arg2[%mul3A_2] : memref<8192xi32, #tpu.memory_space<hbm>> -> memref<256xi32, #tpu.memory_space<hbm>>
      %dma_wait3A_50 = tpu.memref_slice %arg2[%mul3A_2] : memref<8192xi32, #tpu.memory_space<hbm>> -> memref<256xi32, #tpu.memory_space<hbm>>
      tpu.wait_dma2 semaphore(%run_scoped3A : memref<!tpu.dma_semaphore, #tpu.memory_space<semaphore_mem>>) src(%dma_wait3A_50 : memref<256xi32, #tpu.memory_space<hbm>>) dst(%arg5 : memref<256xi32, #tpu.memory_space<vmem>>)
      tpu.yield
    }) : () -> ()
    %dma_start3A = arith.constant 0 : i32
    %dma_start3A_3 = arith.constant 0 : i32
    %dma_start3A_4 = arith.constant 0 : i32
    %dma_start3A_5 = tpu.memref_slice %arg6[%dma_start3A, %dma_start3A_3, %dma_start3A_4] : memref<4x32x768xf32, #tpu.memory_space<vmem>> -> memref<1x32x768xf32, #tpu.memory_space<vmem>>
    %dma_start3A_6 = tpu.memref_squeeze %dma_start3A_5 : memref<1x32x768xf32, #tpu.memory_space<vmem>> -> memref<32x768xf32, #tpu.memory_space<vmem>>
    %dma_start3A_7 = arith.constant 0 : i32
    %dma_start3A_8 = tpu.memref_slice %arg5[%dma_start3A_7] : memref<256xi32, #tpu.memory_space<vmem>> -> memref<32xi32, #tpu.memory_space<vmem>>
    %dma_start3A_9 = arith.constant 0 : i32
    %dma_start3A_10 = arith.constant 0 : i32
    %dma_start3A_11 = tpu.memref_slice %arg3[%dma_start3A_9, %dma_start3A_10] : memref<100000x768xf32, #tpu.memory_space<hbm>> -> memref<100000x768xf32, #tpu.memory_space<hbm>>
    tpu.enqueue_indirect_dma source(%dma_start3A_11 : memref<100000x768xf32, #tpu.memory_space<hbm>>) target(%dma_start3A_6 : memref<32x768xf32, #tpu.memory_space<vmem>>) offsets(%dma_start3A_8 : memref<32xi32, #tpu.memory_space<vmem>>) semaphore(%arg7 : memref<!tpu.dma_semaphore, #tpu.memory_space<semaphore_mem>>)
    %dma_start3A_12 = arith.constant 1 : i32
    %dma_start3A_13 = arith.constant 0 : i32
    %dma_start3A_14 = arith.constant 0 : i32
    %dma_start3A_15 = tpu.memref_slice %arg6[%dma_start3A_12, %dma_start3A_13, %dma_start3A_14] : memref<4x32x768xf32, #tpu.memory_space<vmem>> -> memref<1x32x768xf32, #tpu.memory_space<vmem>>
    %dma_start3A_16 = tpu.memref_squeeze %dma_start3A_15 : memref<1x32x768xf32, #tpu.memory_space<vmem>> -> memref<32x768xf32, #tpu.memory_space<vmem>>
    %dma_start3A_17 = arith.constant 32 : i32
    %dma_start3A_18 = tpu.memref_slice %arg5[%dma_start3A_17] : memref<256xi32, #tpu.memory_space<vmem>> -> memref<32xi32, #tpu.memory_space<vmem>>
    %dma_start3A_19 = arith.constant 0 : i32
    %dma_start3A_20 = arith.constant 0 : i32
    %dma_start3A_21 = tpu.memref_slice %arg3[%dma_start3A_19, %dma_start3A_20] : memref<100000x768xf32, #tpu.memory_space<hbm>> -> memref<100000x768xf32, #tpu.memory_space<hbm>>
    tpu.enqueue_indirect_dma source(%dma_start3A_21 : memref<100000x768xf32, #tpu.memory_space<hbm>>) target(%dma_start3A_16 : memref<32x768xf32, #tpu.memory_space<vmem>>) offsets(%dma_start3A_18 : memref<32xi32, #tpu.memory_space<vmem>>) semaphore(%arg8 : memref<!tpu.dma_semaphore, #tpu.memory_space<semaphore_mem>>)
    %dma_start3A_22 = arith.constant 2 : i32
    %dma_start3A_23 = arith.constant 0 : i32
    %dma_start3A_24 = arith.constant 0 : i32
    %dma_start3A_25 = tpu.memref_slice %arg6[%dma_start3A_22, %dma_start3A_23, %dma_start3A_24] : memref<4x32x768xf32, #tpu.memory_space<vmem>> -> memref<1x32x768xf32, #tpu.memory_space<vmem>>
    %dma_start3A_26 = tpu.memref_squeeze %dma_start3A_25 : memref<1x32x768xf32, #tpu.memory_space<vmem>> -> memref<32x768xf32, #tpu.memory_space<vmem>>
    %dma_start3A_27 = arith.constant 64 : i32
    %dma_start3A_28 = tpu.memref_slice %arg5[%dma_start3A_27] : memref<256xi32, #tpu.memory_space<vmem>> -> memref<32xi32, #tpu.memory_space<vmem>>
    %dma_start3A_29 = arith.constant 0 : i32
    %dma_start3A_30 = arith.constant 0 : i32
    %dma_start3A_31 = tpu.memref_slice %arg3[%dma_start3A_29, %dma_start3A_30] : memref<100000x768xf32, #tpu.memory_space<hbm>> -> memref<100000x768xf32, #tpu.memory_space<hbm>>
    tpu.enqueue_indirect_dma source(%dma_start3A_31 : memref<100000x768xf32, #tpu.memory_space<hbm>>) target(%dma_start3A_26 : memref<32x768xf32, #tpu.memory_space<vmem>>) offsets(%dma_start3A_28 : memref<32xi32, #tpu.memory_space<vmem>>) semaphore(%arg9 : memref<!tpu.dma_semaphore, #tpu.memory_space<semaphore_mem>>)
    %dma_start3A_32 = arith.constant 3 : i32
    %dma_start3A_33 = arith.constant 0 : i32
    %dma_start3A_34 = arith.constant 0 : i32
    %dma_start3A_35 = tpu.memref_slice %arg6[%dma_start3A_32, %dma_start3A_33, %dma_start3A_34] : memref<4x32x768xf32, #tpu.memory_space<vmem>> -> memref<1x32x768xf32, #tpu.memory_space<vmem>>
    %dma_start3A_36 = tpu.memref_squeeze %dma_start3A_35 : memref<1x32x768xf32, #tpu.memory_space<vmem>> -> memref<32x768xf32, #tpu.memory_space<vmem>>
    %dma_start3A_37 = arith.constant 96 : i32
    %dma_start3A_38 = tpu.memref_slice %arg5[%dma_start3A_37] : memref<256xi32, #tpu.memory_space<vmem>> -> memref<32xi32, #tpu.memory_space<vmem>>
    %dma_start3A_39 = arith.constant 0 : i32
    %dma_start3A_40 = arith.constant 0 : i32
    %dma_start3A_41 = tpu.memref_slice %arg3[%dma_start3A_39, %dma_start3A_40] : memref<100000x768xf32, #tpu.memory_space<hbm>> -> memref<100000x768xf32, #tpu.memory_space<hbm>>
    tpu.enqueue_indirect_dma source(%dma_start3A_41 : memref<100000x768xf32, #tpu.memory_space<hbm>>) target(%dma_start3A_36 : memref<32x768xf32, #tpu.memory_space<vmem>>) offsets(%dma_start3A_38 : memref<32xi32, #tpu.memory_space<vmem>>) semaphore(%arg10 : memref<!tpu.dma_semaphore, #tpu.memory_space<semaphore_mem>>)
    %scan3A = arith.constant 0 : i32
    %scan3A_42 = arith.constant 0 : i32
    %scan3A_43 = arith.constant 2 : i32
    %scan3A_44 = arith.addi %scan3A_42, %scan3A_43 : i32
    %scan3A_45 = arith.constant 1 : i32
    %scan3A_46 = scf.for %scan3A_48 = %scan3A_42 to %scan3A_44 step %scan3A_45 iter_args(%scan3A_49 = %scan3A) -> (i32)  : i32 {
      %mul3A_50 = arith.constant 4 : i32
      %mul3A_51 = arith.muli %mul3A_50, %scan3A_48 : i32
      %add3A_52 = arith.constant 0 : i32
      %add3A_53 = arith.addi %mul3A_51, %add3A_52 : i32
      %mul3A_54 = arith.constant 32 : i32
      %mul3A_55 = arith.muli %add3A_53, %mul3A_54 : i32
      %dma_wait3A = arith.constant 0 : i32
      %dma_wait3A_56 = arith.constant 0 : i32
      %dma_wait3A_57 = arith.constant 0 : i32
      %dma_wait3A_58 = tpu.memref_slice %arg6[%dma_wait3A, %dma_wait3A_56, %dma_wait3A_57] : memref<4x32x768xf32, #tpu.memory_space<vmem>> -> memref<1x32x768xf32, #tpu.memory_space<vmem>>
      %dma_wait3A_59 = tpu.memref_squeeze %dma_wait3A_58 : memref<1x32x768xf32, #tpu.memory_space<vmem>> -> memref<32x768xf32, #tpu.memory_space<vmem>>
      %dma_wait3A_60 = tpu.memref_slice %arg5[%mul3A_55] : memref<256xi32, #tpu.memory_space<vmem>> -> memref<32xi32, #tpu.memory_space<vmem>>
      %dma_wait3A_61 = arith.constant 0 : i32
      %dma_wait3A_62 = arith.constant 0 : i32
      %dma_wait3A_63 = tpu.memref_slice %arg3[%dma_wait3A_61, %dma_wait3A_62] : memref<100000x768xf32, #tpu.memory_space<hbm>> -> memref<100000x768xf32, #tpu.memory_space<hbm>>
      tpu.wait_indirect_dma semaphore(%arg7 : memref<!tpu.dma_semaphore, #tpu.memory_space<semaphore_mem>>) src(%dma_wait3A_63 : memref<100000x768xf32, #tpu.memory_space<hbm>>) dst(%dma_wait3A_59 : memref<32x768xf32, #tpu.memory_space<vmem>>)
      %mul3A_64 = arith.constant 32 : i32
      %mul3A_65 = arith.muli %add3A_53, %mul3A_64 : i32
      %add3A_66 = arith.addi %mul3A_2, %mul3A_65 : i32
      %dma_start3A_67 = arith.constant 0 : i32
      %dma_start3A_68 = arith.constant 0 : i32
      %dma_start3A_69 = arith.constant 0 : i32
      %dma_start3A_70 = tpu.memref_slice %arg6[%dma_start3A_67, %dma_start3A_68, %dma_start3A_69] : memref<4x32x768xf32, #tpu.memory_space<vmem>> -> memref<1x32x768xf32, #tpu.memory_space<vmem>>
      %dma_start3A_71 = tpu.memref_squeeze %dma_start3A_70 : memref<1x32x768xf32, #tpu.memory_space<vmem>> -> memref<32x768xf32, #tpu.memory_space<vmem>>
      %dma_start3A_72 = arith.constant 0 : i32
      %dma_start3A_73 = tpu.memref_slice %arg4[%add3A_66, %dma_start3A_72] : memref<8192x768xf32, #tpu.memory_space<hbm>> -> memref<32x768xf32, #tpu.memory_space<hbm>>
      %dma_start3A_74 = arith.constant 0 : i32
      %dma_start3A_75 = tpu.memref_slice %arg4[%add3A_66, %dma_start3A_74] : memref<8192x768xf32, #tpu.memory_space<hbm>> -> memref<32x768xf32, #tpu.memory_space<hbm>>
      %dma_start3A_76 = arith.constant 0 : i32
      %dma_start3A_77 = arith.constant 0 : i32
      %dma_start3A_78 = tpu.memref_slice %arg6[%dma_start3A_67, %dma_start3A_76, %dma_start3A_77] : memref<4x32x768xf32, #tpu.memory_space<vmem>> -> memref<1x32x768xf32, #tpu.memory_space<vmem>>
      %dma_start3A_79 = tpu.memref_squeeze %dma_start3A_78 : memref<1x32x768xf32, #tpu.memory_space<vmem>> -> memref<32x768xf32, #tpu.memory_space<vmem>>
      tpu.enqueue_dma source(%dma_start3A_79 : memref<32x768xf32, #tpu.memory_space<vmem>>) target(%dma_start3A_75 : memref<32x768xf32, #tpu.memory_space<hbm>>) target_semaphore(%arg11 : memref<!tpu.dma_semaphore, #tpu.memory_space<semaphore_mem>>)
      %lt3A = arith.constant 1 : i32
      %lt3A_80 = arith.cmpi slt, %scan3A_48, %lt3A : i32
      %convert_element_type3A = arith.extui %lt3A_80 : i1 to i32
      %cond3A = arith.constant 0 : i32
      %cond3A_81 = arith.cmpi ne, %convert_element_type3A, %cond3A : i32
      scf.if %cond3A_81 {
        %mul3A_210 = arith.constant 32 : i32
        %mul3A_211 = arith.muli %add3A_53, %mul3A_210 : i32
        %add3A_212 = arith.addi %mul3A_2, %mul3A_211 : i32
        %dma_wait3A_213 = arith.constant 0 : i32
        %dma_wait3A_214 = arith.constant 0 : i32
        %dma_wait3A_215 = arith.constant 0 : i32
        %dma_wait3A_216 = tpu.memref_slice %arg6[%dma_wait3A_213, %dma_wait3A_214, %dma_wait3A_215] : memref<4x32x768xf32, #tpu.memory_space<vmem>> -> memref<1x32x768xf32, #tpu.memory_space<vmem>>
        %dma_wait3A_217 = tpu.memref_squeeze %dma_wait3A_216 : memref<1x32x768xf32, #tpu.memory_space<vmem>> -> memref<32x768xf32, #tpu.memory_space<vmem>>
        %dma_wait3A_218 = arith.constant 0 : i32
        %dma_wait3A_219 = tpu.memref_slice %arg4[%add3A_212, %dma_wait3A_218] : memref<8192x768xf32, #tpu.memory_space<hbm>> -> memref<32x768xf32, #tpu.memory_space<hbm>>
        %dma_wait3A_220 = arith.constant 0 : i32
        %dma_wait3A_221 = tpu.memref_slice %arg4[%add3A_212, %dma_wait3A_220] : memref<8192x768xf32, #tpu.memory_space<hbm>> -> memref<32x768xf32, #tpu.memory_space<hbm>>
        %dma_wait3A_222 = arith.constant 0 : i32
        %dma_wait3A_223 = arith.constant 0 : i32
        %dma_wait3A_224 = tpu.memref_slice %arg6[%dma_wait3A_213, %dma_wait3A_222, %dma_wait3A_223] : memref<4x32x768xf32, #tpu.memory_space<vmem>> -> memref<1x32x768xf32, #tpu.memory_space<vmem>>
        %dma_wait3A_225 = tpu.memref_squeeze %dma_wait3A_224 : memref<1x32x768xf32, #tpu.memory_space<vmem>> -> memref<32x768xf32, #tpu.memory_space<vmem>>
        tpu.wait_dma2 semaphore(%arg11 : memref<!tpu.dma_semaphore, #tpu.memory_space<semaphore_mem>>) src(%dma_wait3A_225 : memref<32x768xf32, #tpu.memory_space<vmem>>) dst(%dma_wait3A_221 : memref<32x768xf32, #tpu.memory_space<hbm>>)
        %add3A_226 = arith.constant 4 : i32
        %add3A_227 = arith.addi %add3A_53, %add3A_226 : i32
        %mul3A_228 = arith.constant 32 : i32
        %mul3A_229 = arith.muli %add3A_227, %mul3A_228 : i32
        %dma_start3A_230 = arith.constant 0 : i32
        %dma_start3A_231 = arith.constant 0 : i32
        %dma_start3A_232 = arith.constant 0 : i32
        %dma_start3A_233 = tpu.memref_slice %arg6[%dma_start3A_230, %dma_start3A_231, %dma_start3A_232] : memref<4x32x768xf32, #tpu.memory_space<vmem>> -> memref<1x32x768xf32, #tpu.memory_space<vmem>>
        %dma_start3A_234 = tpu.memref_squeeze %dma_start3A_233 : memref<1x32x768xf32, #tpu.memory_space<vmem>> -> memref<32x768xf32, #tpu.memory_space<vmem>>
        %dma_start3A_235 = tpu.memref_slice %arg5[%mul3A_229] : memref<256xi32, #tpu.memory_space<vmem>> -> memref<32xi32, #tpu.memory_space<vmem>>
        %dma_start3A_236 = arith.constant 0 : i32
        %dma_start3A_237 = arith.constant 0 : i32
        %dma_start3A_238 = tpu.memref_slice %arg3[%dma_start3A_236, %dma_start3A_237] : memref<100000x768xf32, #tpu.memory_space<hbm>> -> memref<100000x768xf32, #tpu.memory_space<hbm>>
        tpu.enqueue_indirect_dma source(%dma_start3A_238 : memref<100000x768xf32, #tpu.memory_space<hbm>>) target(%dma_start3A_234 : memref<32x768xf32, #tpu.memory_space<vmem>>) offsets(%dma_start3A_235 : memref<32xi32, #tpu.memory_space<vmem>>) semaphore(%arg7 : memref<!tpu.dma_semaphore, #tpu.memory_space<semaphore_mem>>)
      } else {
      }
      %eq3A = arith.constant 1 : i32
      %eq3A_82 = arith.cmpi eq, %scan3A_48, %eq3A : i32
      %convert_element_type3A_83 = arith.extui %eq3A_82 : i1 to i32
      %cond3A_84 = arith.constant 0 : i32
      %cond3A_85 = arith.cmpi ne, %convert_element_type3A_83, %cond3A_84 : i32
      scf.if %cond3A_85 {
        %mul3A_210 = arith.constant 32 : i32
        %mul3A_211 = arith.muli %add3A_53, %mul3A_210 : i32
        %add3A_212 = arith.addi %mul3A_2, %mul3A_211 : i32
        %dma_wait3A_213 = arith.constant 0 : i32
        %dma_wait3A_214 = arith.constant 0 : i32
        %dma_wait3A_215 = arith.constant 0 : i32
        %dma_wait3A_216 = tpu.memref_slice %arg6[%dma_wait3A_213, %dma_wait3A_214, %dma_wait3A_215] : memref<4x32x768xf32, #tpu.memory_space<vmem>> -> memref<1x32x768xf32, #tpu.memory_space<vmem>>
        %dma_wait3A_217 = tpu.memref_squeeze %dma_wait3A_216 : memref<1x32x768xf32, #tpu.memory_space<vmem>> -> memref<32x768xf32, #tpu.memory_space<vmem>>
        %dma_wait3A_218 = arith.constant 0 : i32
        %dma_wait3A_219 = tpu.memref_slice %arg4[%add3A_212, %dma_wait3A_218] : memref<8192x768xf32, #tpu.memory_space<hbm>> -> memref<32x768xf32, #tpu.memory_space<hbm>>
        %dma_wait3A_220 = arith.constant 0 : i32
        %dma_wait3A_221 = tpu.memref_slice %arg4[%add3A_212, %dma_wait3A_220] : memref<8192x768xf32, #tpu.memory_space<hbm>> -> memref<32x768xf32, #tpu.memory_space<hbm>>
        %dma_wait3A_222 = arith.constant 0 : i32
        %dma_wait3A_223 = arith.constant 0 : i32
        %dma_wait3A_224 = tpu.memref_slice %arg6[%dma_wait3A_213, %dma_wait3A_222, %dma_wait3A_223] : memref<4x32x768xf32, #tpu.memory_space<vmem>> -> memref<1x32x768xf32, #tpu.memory_space<vmem>>
        %dma_wait3A_225 = tpu.memref_squeeze %dma_wait3A_224 : memref<1x32x768xf32, #tpu.memory_space<vmem>> -> memref<32x768xf32, #tpu.memory_space<vmem>>
        tpu.wait_dma2 semaphore(%arg11 : memref<!tpu.dma_semaphore, #tpu.memory_space<semaphore_mem>>) src(%dma_wait3A_225 : memref<32x768xf32, #tpu.memory_space<vmem>>) dst(%dma_wait3A_221 : memref<32x768xf32, #tpu.memory_space<hbm>>)
      } else {
      }
      %mul3A_86 = arith.constant 4 : i32
      %mul3A_87 = arith.muli %mul3A_86, %scan3A_48 : i32
      %add3A_88 = arith.constant 1 : i32
      %add3A_89 = arith.addi %mul3A_87, %add3A_88 : i32
      %mul3A_90 = arith.constant 32 : i32
      %mul3A_91 = arith.muli %add3A_89, %mul3A_90 : i32
      %dma_wait3A_92 = arith.constant 1 : i32
      %dma_wait3A_93 = arith.constant 0 : i32
      %dma_wait3A_94 = arith.constant 0 : i32
      %dma_wait3A_95 = tpu.memref_slice %arg6[%dma_wait3A_92, %dma_wait3A_93, %dma_wait3A_94] : memref<4x32x768xf32, #tpu.memory_space<vmem>> -> memref<1x32x768xf32, #tpu.memory_space<vmem>>
      %dma_wait3A_96 = tpu.memref_squeeze %dma_wait3A_95 : memref<1x32x768xf32, #tpu.memory_space<vmem>> -> memref<32x768xf32, #tpu.memory_space<vmem>>
      %dma_wait3A_97 = tpu.memref_slice %arg5[%mul3A_91] : memref<256xi32, #tpu.memory_space<vmem>> -> memref<32xi32, #tpu.memory_space<vmem>>
      %dma_wait3A_98 = arith.constant 0 : i32
      %dma_wait3A_99 = arith.constant 0 : i32
      %dma_wait3A_100 = tpu.memref_slice %arg3[%dma_wait3A_98, %dma_wait3A_99] : memref<100000x768xf32, #tpu.memory_space<hbm>> -> memref<100000x768xf32, #tpu.memory_space<hbm>>
      tpu.wait_indirect_dma semaphore(%arg8 : memref<!tpu.dma_semaphore, #tpu.memory_space<semaphore_mem>>) src(%dma_wait3A_100 : memref<100000x768xf32, #tpu.memory_space<hbm>>) dst(%dma_wait3A_96 : memref<32x768xf32, #tpu.memory_space<vmem>>)
      %mul3A_101 = arith.constant 32 : i32
      %mul3A_102 = arith.muli %add3A_89, %mul3A_101 : i32
      %add3A_103 = arith.addi %mul3A_2, %mul3A_102 : i32
      %dma_start3A_104 = arith.constant 1 : i32
      %dma_start3A_105 = arith.constant 0 : i32
      %dma_start3A_106 = arith.constant 0 : i32
      %dma_start3A_107 = tpu.memref_slice %arg6[%dma_start3A_104, %dma_start3A_105, %dma_start3A_106] : memref<4x32x768xf32, #tpu.memory_space<vmem>> -> memref<1x32x768xf32, #tpu.memory_space<vmem>>
      %dma_start3A_108 = tpu.memref_squeeze %dma_start3A_107 : memref<1x32x768xf32, #tpu.memory_space<vmem>> -> memref<32x768xf32, #tpu.memory_space<vmem>>
      %dma_start3A_109 = arith.constant 0 : i32
      %dma_start3A_110 = tpu.memref_slice %arg4[%add3A_103, %dma_start3A_109] : memref<8192x768xf32, #tpu.memory_space<hbm>> -> memref<32x768xf32, #tpu.memory_space<hbm>>
      %dma_start3A_111 = arith.constant 0 : i32
      %dma_start3A_112 = tpu.memref_slice %arg4[%add3A_103, %dma_start3A_111] : memref<8192x768xf32, #tpu.memory_space<hbm>> -> memref<32x768xf32, #tpu.memory_space<hbm>>
      %dma_start3A_113 = arith.constant 0 : i32
      %dma_start3A_114 = arith.constant 0 : i32
      %dma_start3A_115 = tpu.memref_slice %arg6[%dma_start3A_104, %dma_start3A_113, %dma_start3A_114] : memref<4x32x768xf32, #tpu.memory_space<vmem>> -> memref<1x32x768xf32, #tpu.memory_space<vmem>>
      %dma_start3A_116 = tpu.memref_squeeze %dma_start3A_115 : memref<1x32x768xf32, #tpu.memory_space<vmem>> -> memref<32x768xf32, #tpu.memory_space<vmem>>
      tpu.enqueue_dma source(%dma_start3A_116 : memref<32x768xf32, #tpu.memory_space<vmem>>) target(%dma_start3A_112 : memref<32x768xf32, #tpu.memory_space<hbm>>) target_semaphore(%arg12 : memref<!tpu.dma_semaphore, #tpu.memory_space<semaphore_mem>>)
      %lt3A_117 = arith.constant 1 : i32
      %lt3A_118 = arith.cmpi slt, %scan3A_48, %lt3A_117 : i32
      %convert_element_type3A_119 = arith.extui %lt3A_118 : i1 to i32
      %cond3A_120 = arith.constant 0 : i32
      %cond3A_121 = arith.cmpi ne, %convert_element_type3A_119, %cond3A_120 : i32
      scf.if %cond3A_121 {
        %mul3A_210 = arith.constant 32 : i32
        %mul3A_211 = arith.muli %add3A_89, %mul3A_210 : i32
        %add3A_212 = arith.addi %mul3A_2, %mul3A_211 : i32
        %dma_wait3A_213 = arith.constant 1 : i32
        %dma_wait3A_214 = arith.constant 0 : i32
        %dma_wait3A_215 = arith.constant 0 : i32
        %dma_wait3A_216 = tpu.memref_slice %arg6[%dma_wait3A_213, %dma_wait3A_214, %dma_wait3A_215] : memref<4x32x768xf32, #tpu.memory_space<vmem>> -> memref<1x32x768xf32, #tpu.memory_space<vmem>>
        %dma_wait3A_217 = tpu.memref_squeeze %dma_wait3A_216 : memref<1x32x768xf32, #tpu.memory_space<vmem>> -> memref<32x768xf32, #tpu.memory_space<vmem>>
        %dma_wait3A_218 = arith.constant 0 : i32
        %dma_wait3A_219 = tpu.memref_slice %arg4[%add3A_212, %dma_wait3A_218] : memref<8192x768xf32, #tpu.memory_space<hbm>> -> memref<32x768xf32, #tpu.memory_space<hbm>>
        %dma_wait3A_220 = arith.constant 0 : i32
        %dma_wait3A_221 = tpu.memref_slice %arg4[%add3A_212, %dma_wait3A_220] : memref<8192x768xf32, #tpu.memory_space<hbm>> -> memref<32x768xf32, #tpu.memory_space<hbm>>
        %dma_wait3A_222 = arith.constant 0 : i32
        %dma_wait3A_223 = arith.constant 0 : i32
        %dma_wait3A_224 = tpu.memref_slice %arg6[%dma_wait3A_213, %dma_wait3A_222, %dma_wait3A_223] : memref<4x32x768xf32, #tpu.memory_space<vmem>> -> memref<1x32x768xf32, #tpu.memory_space<vmem>>
        %dma_wait3A_225 = tpu.memref_squeeze %dma_wait3A_224 : memref<1x32x768xf32, #tpu.memory_space<vmem>> -> memref<32x768xf32, #tpu.memory_space<vmem>>
        tpu.wait_dma2 semaphore(%arg12 : memref<!tpu.dma_semaphore, #tpu.memory_space<semaphore_mem>>) src(%dma_wait3A_225 : memref<32x768xf32, #tpu.memory_space<vmem>>) dst(%dma_wait3A_221 : memref<32x768xf32, #tpu.memory_space<hbm>>)
        %add3A_226 = arith.constant 4 : i32
        %add3A_227 = arith.addi %add3A_89, %add3A_226 : i32
        %mul3A_228 = arith.constant 32 : i32
        %mul3A_229 = arith.muli %add3A_227, %mul3A_228 : i32
        %dma_start3A_230 = arith.constant 1 : i32
        %dma_start3A_231 = arith.constant 0 : i32
        %dma_start3A_232 = arith.constant 0 : i32
        %dma_start3A_233 = tpu.memref_slice %arg6[%dma_start3A_230, %dma_start3A_231, %dma_start3A_232] : memref<4x32x768xf32, #tpu.memory_space<vmem>> -> memref<1x32x768xf32, #tpu.memory_space<vmem>>
        %dma_start3A_234 = tpu.memref_squeeze %dma_start3A_233 : memref<1x32x768xf32, #tpu.memory_space<vmem>> -> memref<32x768xf32, #tpu.memory_space<vmem>>
        %dma_start3A_235 = tpu.memref_slice %arg5[%mul3A_229] : memref<256xi32, #tpu.memory_space<vmem>> -> memref<32xi32, #tpu.memory_space<vmem>>
        %dma_start3A_236 = arith.constant 0 : i32
        %dma_start3A_237 = arith.constant 0 : i32
        %dma_start3A_238 = tpu.memref_slice %arg3[%dma_start3A_236, %dma_start3A_237] : memref<100000x768xf32, #tpu.memory_space<hbm>> -> memref<100000x768xf32, #tpu.memory_space<hbm>>
        tpu.enqueue_indirect_dma source(%dma_start3A_238 : memref<100000x768xf32, #tpu.memory_space<hbm>>) target(%dma_start3A_234 : memref<32x768xf32, #tpu.memory_space<vmem>>) offsets(%dma_start3A_235 : memref<32xi32, #tpu.memory_space<vmem>>) semaphore(%arg8 : memref<!tpu.dma_semaphore, #tpu.memory_space<semaphore_mem>>)
      } else {
      }
      %eq3A_122 = arith.constant 1 : i32
      %eq3A_123 = arith.cmpi eq, %scan3A_48, %eq3A_122 : i32
      %convert_element_type3A_124 = arith.extui %eq3A_123 : i1 to i32
      %cond3A_125 = arith.constant 0 : i32
      %cond3A_126 = arith.cmpi ne, %convert_element_type3A_124, %cond3A_125 : i32
      scf.if %cond3A_126 {
        %mul3A_210 = arith.constant 32 : i32
        %mul3A_211 = arith.muli %add3A_89, %mul3A_210 : i32
        %add3A_212 = arith.addi %mul3A_2, %mul3A_211 : i32
        %dma_wait3A_213 = arith.constant 1 : i32
        %dma_wait3A_214 = arith.constant 0 : i32
        %dma_wait3A_215 = arith.constant 0 : i32
        %dma_wait3A_216 = tpu.memref_slice %arg6[%dma_wait3A_213, %dma_wait3A_214, %dma_wait3A_215] : memref<4x32x768xf32, #tpu.memory_space<vmem>> -> memref<1x32x768xf32, #tpu.memory_space<vmem>>
        %dma_wait3A_217 = tpu.memref_squeeze %dma_wait3A_216 : memref<1x32x768xf32, #tpu.memory_space<vmem>> -> memref<32x768xf32, #tpu.memory_space<vmem>>
        %dma_wait3A_218 = arith.constant 0 : i32
        %dma_wait3A_219 = tpu.memref_slice %arg4[%add3A_212, %dma_wait3A_218] : memref<8192x768xf32, #tpu.memory_space<hbm>> -> memref<32x768xf32, #tpu.memory_space<hbm>>
        %dma_wait3A_220 = arith.constant 0 : i32
        %dma_wait3A_221 = tpu.memref_slice %arg4[%add3A_212, %dma_wait3A_220] : memref<8192x768xf32, #tpu.memory_space<hbm>> -> memref<32x768xf32, #tpu.memory_space<hbm>>
        %dma_wait3A_222 = arith.constant 0 : i32
        %dma_wait3A_223 = arith.constant 0 : i32
        %dma_wait3A_224 = tpu.memref_slice %arg6[%dma_wait3A_213, %dma_wait3A_222, %dma_wait3A_223] : memref<4x32x768xf32, #tpu.memory_space<vmem>> -> memref<1x32x768xf32, #tpu.memory_space<vmem>>
        %dma_wait3A_225 = tpu.memref_squeeze %dma_wait3A_224 : memref<1x32x768xf32, #tpu.memory_space<vmem>> -> memref<32x768xf32, #tpu.memory_space<vmem>>
        tpu.wait_dma2 semaphore(%arg12 : memref<!tpu.dma_semaphore, #tpu.memory_space<semaphore_mem>>) src(%dma_wait3A_225 : memref<32x768xf32, #tpu.memory_space<vmem>>) dst(%dma_wait3A_221 : memref<32x768xf32, #tpu.memory_space<hbm>>)
      } else {
      }
      %mul3A_127 = arith.constant 4 : i32
      %mul3A_128 = arith.muli %mul3A_127, %scan3A_48 : i32
      %add3A_129 = arith.constant 2 : i32
      %add3A_130 = arith.addi %mul3A_128, %add3A_129 : i32
      %mul3A_131 = arith.constant 32 : i32
      %mul3A_132 = arith.muli %add3A_130, %mul3A_131 : i32
      %dma_wait3A_133 = arith.constant 2 : i32
      %dma_wait3A_134 = arith.constant 0 : i32
      %dma_wait3A_135 = arith.constant 0 : i32
      %dma_wait3A_136 = tpu.memref_slice %arg6[%dma_wait3A_133, %dma_wait3A_134, %dma_wait3A_135] : memref<4x32x768xf32, #tpu.memory_space<vmem>> -> memref<1x32x768xf32, #tpu.memory_space<vmem>>
      %dma_wait3A_137 = tpu.memref_squeeze %dma_wait3A_136 : memref<1x32x768xf32, #tpu.memory_space<vmem>> -> memref<32x768xf32, #tpu.memory_space<vmem>>
      %dma_wait3A_138 = tpu.memref_slice %arg5[%mul3A_132] : memref<256xi32, #tpu.memory_space<vmem>> -> memref<32xi32, #tpu.memory_space<vmem>>
      %dma_wait3A_139 = arith.constant 0 : i32
      %dma_wait3A_140 = arith.constant 0 : i32
      %dma_wait3A_141 = tpu.memref_slice %arg3[%dma_wait3A_139, %dma_wait3A_140] : memref<100000x768xf32, #tpu.memory_space<hbm>> -> memref<100000x768xf32, #tpu.memory_space<hbm>>
      tpu.wait_indirect_dma semaphore(%arg9 : memref<!tpu.dma_semaphore, #tpu.memory_space<semaphore_mem>>) src(%dma_wait3A_141 : memref<100000x768xf32, #tpu.memory_space<hbm>>) dst(%dma_wait3A_137 : memref<32x768xf32, #tpu.memory_space<vmem>>)
      %mul3A_142 = arith.constant 32 : i32
      %mul3A_143 = arith.muli %add3A_130, %mul3A_142 : i32
      %add3A_144 = arith.addi %mul3A_2, %mul3A_143 : i32
      %dma_start3A_145 = arith.constant 2 : i32
      %dma_start3A_146 = arith.constant 0 : i32
      %dma_start3A_147 = arith.constant 0 : i32
      %dma_start3A_148 = tpu.memref_slice %arg6[%dma_start3A_145, %dma_start3A_146, %dma_start3A_147] : memref<4x32x768xf32, #tpu.memory_space<vmem>> -> memref<1x32x768xf32, #tpu.memory_space<vmem>>
      %dma_start3A_149 = tpu.memref_squeeze %dma_start3A_148 : memref<1x32x768xf32, #tpu.memory_space<vmem>> -> memref<32x768xf32, #tpu.memory_space<vmem>>
      %dma_start3A_150 = arith.constant 0 : i32
      %dma_start3A_151 = tpu.memref_slice %arg4[%add3A_144, %dma_start3A_150] : memref<8192x768xf32, #tpu.memory_space<hbm>> -> memref<32x768xf32, #tpu.memory_space<hbm>>
      %dma_start3A_152 = arith.constant 0 : i32
      %dma_start3A_153 = tpu.memref_slice %arg4[%add3A_144, %dma_start3A_152] : memref<8192x768xf32, #tpu.memory_space<hbm>> -> memref<32x768xf32, #tpu.memory_space<hbm>>
      %dma_start3A_154 = arith.constant 0 : i32
      %dma_start3A_155 = arith.constant 0 : i32
      %dma_start3A_156 = tpu.memref_slice %arg6[%dma_start3A_145, %dma_start3A_154, %dma_start3A_155] : memref<4x32x768xf32, #tpu.memory_space<vmem>> -> memref<1x32x768xf32, #tpu.memory_space<vmem>>
      %dma_start3A_157 = tpu.memref_squeeze %dma_start3A_156 : memref<1x32x768xf32, #tpu.memory_space<vmem>> -> memref<32x768xf32, #tpu.memory_space<vmem>>
      tpu.enqueue_dma source(%dma_start3A_157 : memref<32x768xf32, #tpu.memory_space<vmem>>) target(%dma_start3A_153 : memref<32x768xf32, #tpu.memory_space<hbm>>) target_semaphore(%arg13 : memref<!tpu.dma_semaphore, #tpu.memory_space<semaphore_mem>>)
      %lt3A_158 = arith.constant 1 : i32
      %lt3A_159 = arith.cmpi slt, %scan3A_48, %lt3A_158 : i32
      %convert_element_type3A_160 = arith.extui %lt3A_159 : i1 to i32
      %cond3A_161 = arith.constant 0 : i32
      %cond3A_162 = arith.cmpi ne, %convert_element_type3A_160, %cond3A_161 : i32
      scf.if %cond3A_162 {
        %mul3A_210 = arith.constant 32 : i32
        %mul3A_211 = arith.muli %add3A_130, %mul3A_210 : i32
        %add3A_212 = arith.addi %mul3A_2, %mul3A_211 : i32
        %dma_wait3A_213 = arith.constant 2 : i32
        %dma_wait3A_214 = arith.constant 0 : i32
        %dma_wait3A_215 = arith.constant 0 : i32
        %dma_wait3A_216 = tpu.memref_slice %arg6[%dma_wait3A_213, %dma_wait3A_214, %dma_wait3A_215] : memref<4x32x768xf32, #tpu.memory_space<vmem>> -> memref<1x32x768xf32, #tpu.memory_space<vmem>>
        %dma_wait3A_217 = tpu.memref_squeeze %dma_wait3A_216 : memref<1x32x768xf32, #tpu.memory_space<vmem>> -> memref<32x768xf32, #tpu.memory_space<vmem>>
        %dma_wait3A_218 = arith.constant 0 : i32
        %dma_wait3A_219 = tpu.memref_slice %arg4[%add3A_212, %dma_wait3A_218] : memref<8192x768xf32, #tpu.memory_space<hbm>> -> memref<32x768xf32, #tpu.memory_space<hbm>>
        %dma_wait3A_220 = arith.constant 0 : i32
        %dma_wait3A_221 = tpu.memref_slice %arg4[%add3A_212, %dma_wait3A_220] : memref<8192x768xf32, #tpu.memory_space<hbm>> -> memref<32x768xf32, #tpu.memory_space<hbm>>
        %dma_wait3A_222 = arith.constant 0 : i32
        %dma_wait3A_223 = arith.constant 0 : i32
        %dma_wait3A_224 = tpu.memref_slice %arg6[%dma_wait3A_213, %dma_wait3A_222, %dma_wait3A_223] : memref<4x32x768xf32, #tpu.memory_space<vmem>> -> memref<1x32x768xf32, #tpu.memory_space<vmem>>
        %dma_wait3A_225 = tpu.memref_squeeze %dma_wait3A_224 : memref<1x32x768xf32, #tpu.memory_space<vmem>> -> memref<32x768xf32, #tpu.memory_space<vmem>>
        tpu.wait_dma2 semaphore(%arg13 : memref<!tpu.dma_semaphore, #tpu.memory_space<semaphore_mem>>) src(%dma_wait3A_225 : memref<32x768xf32, #tpu.memory_space<vmem>>) dst(%dma_wait3A_221 : memref<32x768xf32, #tpu.memory_space<hbm>>)
        %add3A_226 = arith.constant 4 : i32
        %add3A_227 = arith.addi %add3A_130, %add3A_226 : i32
        %mul3A_228 = arith.constant 32 : i32
        %mul3A_229 = arith.muli %add3A_227, %mul3A_228 : i32
        %dma_start3A_230 = arith.constant 2 : i32
        %dma_start3A_231 = arith.constant 0 : i32
        %dma_start3A_232 = arith.constant 0 : i32
        %dma_start3A_233 = tpu.memref_slice %arg6[%dma_start3A_230, %dma_start3A_231, %dma_start3A_232] : memref<4x32x768xf32, #tpu.memory_space<vmem>> -> memref<1x32x768xf32, #tpu.memory_space<vmem>>
        %dma_start3A_234 = tpu.memref_squeeze %dma_start3A_233 : memref<1x32x768xf32, #tpu.memory_space<vmem>> -> memref<32x768xf32, #tpu.memory_space<vmem>>
        %dma_start3A_235 = tpu.memref_slice %arg5[%mul3A_229] : memref<256xi32, #tpu.memory_space<vmem>> -> memref<32xi32, #tpu.memory_space<vmem>>
        %dma_start3A_236 = arith.constant 0 : i32
        %dma_start3A_237 = arith.constant 0 : i32
        %dma_start3A_238 = tpu.memref_slice %arg3[%dma_start3A_236, %dma_start3A_237] : memref<100000x768xf32, #tpu.memory_space<hbm>> -> memref<100000x768xf32, #tpu.memory_space<hbm>>
        tpu.enqueue_indirect_dma source(%dma_start3A_238 : memref<100000x768xf32, #tpu.memory_space<hbm>>) target(%dma_start3A_234 : memref<32x768xf32, #tpu.memory_space<vmem>>) offsets(%dma_start3A_235 : memref<32xi32, #tpu.memory_space<vmem>>) semaphore(%arg9 : memref<!tpu.dma_semaphore, #tpu.memory_space<semaphore_mem>>)
      } else {
      }
      %eq3A_163 = arith.constant 1 : i32
      %eq3A_164 = arith.cmpi eq, %scan3A_48, %eq3A_163 : i32
      %convert_element_type3A_165 = arith.extui %eq3A_164 : i1 to i32
      %cond3A_166 = arith.constant 0 : i32
      %cond3A_167 = arith.cmpi ne, %convert_element_type3A_165, %cond3A_166 : i32
      scf.if %cond3A_167 {
        %mul3A_210 = arith.constant 32 : i32
        %mul3A_211 = arith.muli %add3A_130, %mul3A_210 : i32
        %add3A_212 = arith.addi %mul3A_2, %mul3A_211 : i32
        %dma_wait3A_213 = arith.constant 2 : i32
        %dma_wait3A_214 = arith.constant 0 : i32
        %dma_wait3A_215 = arith.constant 0 : i32
        %dma_wait3A_216 = tpu.memref_slice %arg6[%dma_wait3A_213, %dma_wait3A_214, %dma_wait3A_215] : memref<4x32x768xf32, #tpu.memory_space<vmem>> -> memref<1x32x768xf32, #tpu.memory_space<vmem>>
        %dma_wait3A_217 = tpu.memref_squeeze %dma_wait3A_216 : memref<1x32x768xf32, #tpu.memory_space<vmem>> -> memref<32x768xf32, #tpu.memory_space<vmem>>
        %dma_wait3A_218 = arith.constant 0 : i32
        %dma_wait3A_219 = tpu.memref_slice %arg4[%add3A_212, %dma_wait3A_218] : memref<8192x768xf32, #tpu.memory_space<hbm>> -> memref<32x768xf32, #tpu.memory_space<hbm>>
        %dma_wait3A_220 = arith.constant 0 : i32
        %dma_wait3A_221 = tpu.memref_slice %arg4[%add3A_212, %dma_wait3A_220] : memref<8192x768xf32, #tpu.memory_space<hbm>> -> memref<32x768xf32, #tpu.memory_space<hbm>>
        %dma_wait3A_222 = arith.constant 0 : i32
        %dma_wait3A_223 = arith.constant 0 : i32
        %dma_wait3A_224 = tpu.memref_slice %arg6[%dma_wait3A_213, %dma_wait3A_222, %dma_wait3A_223] : memref<4x32x768xf32, #tpu.memory_space<vmem>> -> memref<1x32x768xf32, #tpu.memory_space<vmem>>
        %dma_wait3A_225 = tpu.memref_squeeze %dma_wait3A_224 : memref<1x32x768xf32, #tpu.memory_space<vmem>> -> memref<32x768xf32, #tpu.memory_space<vmem>>
        tpu.wait_dma2 semaphore(%arg13 : memref<!tpu.dma_semaphore, #tpu.memory_space<semaphore_mem>>) src(%dma_wait3A_225 : memref<32x768xf32, #tpu.memory_space<vmem>>) dst(%dma_wait3A_221 : memref<32x768xf32, #tpu.memory_space<hbm>>)
      } else {
      }
      %mul3A_168 = arith.constant 4 : i32
      %mul3A_169 = arith.muli %mul3A_168, %scan3A_48 : i32
      %add3A_170 = arith.constant 3 : i32
      %add3A_171 = arith.addi %mul3A_169, %add3A_170 : i32
      %mul3A_172 = arith.constant 32 : i32
      %mul3A_173 = arith.muli %add3A_171, %mul3A_172 : i32
      %dma_wait3A_174 = arith.constant 3 : i32
      %dma_wait3A_175 = arith.constant 0 : i32
      %dma_wait3A_176 = arith.constant 0 : i32
      %dma_wait3A_177 = tpu.memref_slice %arg6[%dma_wait3A_174, %dma_wait3A_175, %dma_wait3A_176] : memref<4x32x768xf32, #tpu.memory_space<vmem>> -> memref<1x32x768xf32, #tpu.memory_space<vmem>>
      %dma_wait3A_178 = tpu.memref_squeeze %dma_wait3A_177 : memref<1x32x768xf32, #tpu.memory_space<vmem>> -> memref<32x768xf32, #tpu.memory_space<vmem>>
      %dma_wait3A_179 = tpu.memref_slice %arg5[%mul3A_173] : memref<256xi32, #tpu.memory_space<vmem>> -> memref<32xi32, #tpu.memory_space<vmem>>
      %dma_wait3A_180 = arith.constant 0 : i32
      %dma_wait3A_181 = arith.constant 0 : i32
      %dma_wait3A_182 = tpu.memref_slice %arg3[%dma_wait3A_180, %dma_wait3A_181] : memref<100000x768xf32, #tpu.memory_space<hbm>> -> memref<100000x768xf32, #tpu.memory_space<hbm>>
      tpu.wait_indirect_dma semaphore(%arg10 : memref<!tpu.dma_semaphore, #tpu.memory_space<semaphore_mem>>) src(%dma_wait3A_182 : memref<100000x768xf32, #tpu.memory_space<hbm>>) dst(%dma_wait3A_178 : memref<32x768xf32, #tpu.memory_space<vmem>>)
      %mul3A_183 = arith.constant 32 : i32
      %mul3A_184 = arith.muli %add3A_171, %mul3A_183 : i32
      %add3A_185 = arith.addi %mul3A_2, %mul3A_184 : i32
      %dma_start3A_186 = arith.constant 3 : i32
      %dma_start3A_187 = arith.constant 0 : i32
      %dma_start3A_188 = arith.constant 0 : i32
      %dma_start3A_189 = tpu.memref_slice %arg6[%dma_start3A_186, %dma_start3A_187, %dma_start3A_188] : memref<4x32x768xf32, #tpu.memory_space<vmem>> -> memref<1x32x768xf32, #tpu.memory_space<vmem>>
      %dma_start3A_190 = tpu.memref_squeeze %dma_start3A_189 : memref<1x32x768xf32, #tpu.memory_space<vmem>> -> memref<32x768xf32, #tpu.memory_space<vmem>>
      %dma_start3A_191 = arith.constant 0 : i32
      %dma_start3A_192 = tpu.memref_slice %arg4[%add3A_185, %dma_start3A_191] : memref<8192x768xf32, #tpu.memory_space<hbm>> -> memref<32x768xf32, #tpu.memory_space<hbm>>
      %dma_start3A_193 = arith.constant 0 : i32
      %dma_start3A_194 = tpu.memref_slice %arg4[%add3A_185, %dma_start3A_193] : memref<8192x768xf32, #tpu.memory_space<hbm>> -> memref<32x768xf32, #tpu.memory_space<hbm>>
      %dma_start3A_195 = arith.constant 0 : i32
      %dma_start3A_196 = arith.constant 0 : i32
      %dma_start3A_197 = tpu.memref_slice %arg6[%dma_start3A_186, %dma_start3A_195, %dma_start3A_196] : memref<4x32x768xf32, #tpu.memory_space<vmem>> -> memref<1x32x768xf32, #tpu.memory_space<vmem>>
      %dma_start3A_198 = tpu.memref_squeeze %dma_start3A_197 : memref<1x32x768xf32, #tpu.memory_space<vmem>> -> memref<32x768xf32, #tpu.memory_space<vmem>>
      tpu.enqueue_dma source(%dma_start3A_198 : memref<32x768xf32, #tpu.memory_space<vmem>>) target(%dma_start3A_194 : memref<32x768xf32, #tpu.memory_space<hbm>>) target_semaphore(%arg14 : memref<!tpu.dma_semaphore, #tpu.memory_space<semaphore_mem>>)
      %lt3A_199 = arith.constant 1 : i32
      %lt3A_200 = arith.cmpi slt, %scan3A_48, %lt3A_199 : i32
      %convert_element_type3A_201 = arith.extui %lt3A_200 : i1 to i32
      %cond3A_202 = arith.constant 0 : i32
      %cond3A_203 = arith.cmpi ne, %convert_element_type3A_201, %cond3A_202 : i32
      scf.if %cond3A_203 {
        %mul3A_210 = arith.constant 32 : i32
        %mul3A_211 = arith.muli %add3A_171, %mul3A_210 : i32
        %add3A_212 = arith.addi %mul3A_2, %mul3A_211 : i32
        %dma_wait3A_213 = arith.constant 3 : i32
        %dma_wait3A_214 = arith.constant 0 : i32
        %dma_wait3A_215 = arith.constant 0 : i32
        %dma_wait3A_216 = tpu.memref_slice %arg6[%dma_wait3A_213, %dma_wait3A_214, %dma_wait3A_215] : memref<4x32x768xf32, #tpu.memory_space<vmem>> -> memref<1x32x768xf32, #tpu.memory_space<vmem>>
        %dma_wait3A_217 = tpu.memref_squeeze %dma_wait3A_216 : memref<1x32x768xf32, #tpu.memory_space<vmem>> -> memref<32x768xf32, #tpu.memory_space<vmem>>
        %dma_wait3A_218 = arith.constant 0 : i32
        %dma_wait3A_219 = tpu.memref_slice %arg4[%add3A_212, %dma_wait3A_218] : memref<8192x768xf32, #tpu.memory_space<hbm>> -> memref<32x768xf32, #tpu.memory_space<hbm>>
        %dma_wait3A_220 = arith.constant 0 : i32
        %dma_wait3A_221 = tpu.memref_slice %arg4[%add3A_212, %dma_wait3A_220] : memref<8192x768xf32, #tpu.memory_space<hbm>> -> memref<32x768xf32, #tpu.memory_space<hbm>>
        %dma_wait3A_222 = arith.constant 0 : i32
        %dma_wait3A_223 = arith.constant 0 : i32
        %dma_wait3A_224 = tpu.memref_slice %arg6[%dma_wait3A_213, %dma_wait3A_222, %dma_wait3A_223] : memref<4x32x768xf32, #tpu.memory_space<vmem>> -> memref<1x32x768xf32, #tpu.memory_space<vmem>>
        %dma_wait3A_225 = tpu.memref_squeeze %dma_wait3A_224 : memref<1x32x768xf32, #tpu.memory_space<vmem>> -> memref<32x768xf32, #tpu.memory_space<vmem>>
        tpu.wait_dma2 semaphore(%arg14 : memref<!tpu.dma_semaphore, #tpu.memory_space<semaphore_mem>>) src(%dma_wait3A_225 : memref<32x768xf32, #tpu.memory_space<vmem>>) dst(%dma_wait3A_221 : memref<32x768xf32, #tpu.memory_space<hbm>>)
        %add3A_226 = arith.constant 4 : i32
        %add3A_227 = arith.addi %add3A_171, %add3A_226 : i32
        %mul3A_228 = arith.constant 32 : i32
        %mul3A_229 = arith.muli %add3A_227, %mul3A_228 : i32
        %dma_start3A_230 = arith.constant 3 : i32
        %dma_start3A_231 = arith.constant 0 : i32
        %dma_start3A_232 = arith.constant 0 : i32
        %dma_start3A_233 = tpu.memref_slice %arg6[%dma_start3A_230, %dma_start3A_231, %dma_start3A_232] : memref<4x32x768xf32, #tpu.memory_space<vmem>> -> memref<1x32x768xf32, #tpu.memory_space<vmem>>
        %dma_start3A_234 = tpu.memref_squeeze %dma_start3A_233 : memref<1x32x768xf32, #tpu.memory_space<vmem>> -> memref<32x768xf32, #tpu.memory_space<vmem>>
        %dma_start3A_235 = tpu.memref_slice %arg5[%mul3A_229] : memref<256xi32, #tpu.memory_space<vmem>> -> memref<32xi32, #tpu.memory_space<vmem>>
        %dma_start3A_236 = arith.constant 0 : i32
        %dma_start3A_237 = arith.constant 0 : i32
        %dma_start3A_238 = tpu.memref_slice %arg3[%dma_start3A_236, %dma_start3A_237] : memref<100000x768xf32, #tpu.memory_space<hbm>> -> memref<100000x768xf32, #tpu.memory_space<hbm>>
        tpu.enqueue_indirect_dma source(%dma_start3A_238 : memref<100000x768xf32, #tpu.memory_space<hbm>>) target(%dma_start3A_234 : memref<32x768xf32, #tpu.memory_space<vmem>>) offsets(%dma_start3A_235 : memref<32xi32, #tpu.memory_space<vmem>>) semaphore(%arg10 : memref<!tpu.dma_semaphore, #tpu.memory_space<semaphore_mem>>)
      } else {
      }
      %eq3A_204 = arith.constant 1 : i32
      %eq3A_205 = arith.cmpi eq, %scan3A_48, %eq3A_204 : i32
      %convert_element_type3A_206 = arith.extui %eq3A_205 : i1 to i32
      %cond3A_207 = arith.constant 0 : i32
      %cond3A_208 = arith.cmpi ne, %convert_element_type3A_206, %cond3A_207 : i32
      scf.if %cond3A_208 {
        %mul3A_210 = arith.constant 32 : i32
        %mul3A_211 = arith.muli %add3A_171, %mul3A_210 : i32
        %add3A_212 = arith.addi %mul3A_2, %mul3A_211 : i32
        %dma_wait3A_213 = arith.constant 3 : i32
        %dma_wait3A_214 = arith.constant 0 : i32
        %dma_wait3A_215 = arith.constant 0 : i32
        %dma_wait3A_216 = tpu.memref_slice %arg6[%dma_wait3A_213, %dma_wait3A_214, %dma_wait3A_215] : memref<4x32x768xf32, #tpu.memory_space<vmem>> -> memref<1x32x768xf32, #tpu.memory_space<vmem>>
        %dma_wait3A_217 = tpu.memref_squeeze %dma_wait3A_216 : memref<1x32x768xf32, #tpu.memory_space<vmem>> -> memref<32x768xf32, #tpu.memory_space<vmem>>
        %dma_wait3A_218 = arith.constant 0 : i32
        %dma_wait3A_219 = tpu.memref_slice %arg4[%add3A_212, %dma_wait3A_218] : memref<8192x768xf32, #tpu.memory_space<hbm>> -> memref<32x768xf32, #tpu.memory_space<hbm>>
        %dma_wait3A_220 = arith.constant 0 : i32
        %dma_wait3A_221 = tpu.memref_slice %arg4[%add3A_212, %dma_wait3A_220] : memref<8192x768xf32, #tpu.memory_space<hbm>> -> memref<32x768xf32, #tpu.memory_space<hbm>>
        %dma_wait3A_222 = arith.constant 0 : i32
        %dma_wait3A_223 = arith.constant 0 : i32
        %dma_wait3A_224 = tpu.memref_slice %arg6[%dma_wait3A_213, %dma_wait3A_222, %dma_wait3A_223] : memref<4x32x768xf32, #tpu.memory_space<vmem>> -> memref<1x32x768xf32, #tpu.memory_space<vmem>>
        %dma_wait3A_225 = tpu.memref_squeeze %dma_wait3A_224 : memref<1x32x768xf32, #tpu.memory_space<vmem>> -> memref<32x768xf32, #tpu.memory_space<vmem>>
        tpu.wait_dma2 semaphore(%arg14 : memref<!tpu.dma_semaphore, #tpu.memory_space<semaphore_mem>>) src(%dma_wait3A_225 : memref<32x768xf32, #tpu.memory_space<vmem>>) dst(%dma_wait3A_221 : memref<32x768xf32, #tpu.memory_space<hbm>>)
      } else {
      }
      %scan3A_209 = arith.constant 0 : i32
      scf.yield %scan3A_209 : i32
    }
    %scan3A_47 = arith.constant 2 : i32
    return
  }
}

module attributes {stable_mosaic.version = 14 : i64} {
  func.func @_ln_block(%arg0: i32, %arg1: memref<4x512x768xf32, #tpu.memory_space<vmem>>, %arg2: memref<512x768xf32, #tpu.memory_space<vmem>>, %arg3: memref<1x4x512xi32, #tpu.memory_space<vmem>>, %arg4: memref<2x768xf32, #tpu.memory_space<vmem>>, %arg5: memref<1x768xf32, #tpu.memory_space<vmem>>, %arg6: memref<1x768xf32, #tpu.memory_space<vmem>>, %arg7: memref<4x512x768xf32, #tpu.memory_space<vmem>>) attributes {dimension_semantics = [#tpu.dimension_semantics<arbitrary>], iteration_bounds = array<i64: 4>, scalar_prefetch = 0 : i64, scratch_operands = 0 : i64, tpu.core_type = #tpu.core_type<tc>, window_params = [{transform_indices = @transform_0, window_bounds = array<i64: 4, 512, 768>}, {transform_indices = @transform_1, window_bounds = array<i64: 512, 768>}, {transform_indices = @transform_2, window_bounds = array<i64: 1, 4, 512>}, {pipeline_mode = #tpu.pipeline_mode<synchronous>, transform_indices = @transform_3, window_bounds = array<i64: 2, 768>}, {pipeline_mode = #tpu.pipeline_mode<synchronous>, transform_indices = @transform_4, window_bounds = array<i64: 1, 768>}, {pipeline_mode = #tpu.pipeline_mode<synchronous>, transform_indices = @transform_5, window_bounds = array<i64: 1, 768>}, {transform_indices = @transform_6, window_bounds = array<i64: 4, 512, 768>}]} {
    %get3A = arith.constant 0 : index
    %get3A_0 = arith.constant 0 : index
    %get3A_1 = vector.load %arg2[%get3A, %get3A_0] : memref<512x768xf32, #tpu.memory_space<vmem>>, vector<512x768xf32>
    %get3A_2 = arith.constant 0 : index
    %get3A_3 = arith.constant 0 : index
    %get3A_4 = vector.load %arg4[%get3A_2, %get3A_3] : memref<2x768xf32, #tpu.memory_space<vmem>>, vector<1x768xf32>
    %get3A_5 = vector.shape_cast %get3A_4 : vector<1x768xf32> to vector<768xf32>
    %broadcast_in_dim3A = vector.shape_cast %get3A_5 : vector<768xf32> to vector<1x768xf32>
    %add3A = vector.broadcast %broadcast_in_dim3A : vector<1x768xf32> to vector<512x768xf32>
    %add3A_6 = arith.addf %get3A_1, %add3A : vector<512x768xf32>
    %get3A_7 = arith.constant 1 : index
    %get3A_8 = arith.constant 0 : index
    %get3A_9 = vector.load %arg4[%get3A_7, %get3A_8] : memref<2x768xf32, #tpu.memory_space<vmem>>, vector<1x768xf32>
    %get3A_10 = vector.shape_cast %get3A_9 : vector<1x768xf32> to vector<768xf32>
    %get3A_11 = arith.constant 0 : index
    %get3A_12 = arith.constant 0 : index
    %get3A_13 = vector.load %arg4[%get3A_11, %get3A_12] : memref<2x768xf32, #tpu.memory_space<vmem>>, vector<1x768xf32>
    %get3A_14 = vector.shape_cast %get3A_13 : vector<1x768xf32> to vector<768xf32>
    %sub3A = arith.subf %get3A_10, %get3A_14 : vector<768xf32>
    %broadcast_in_dim3A_15 = vector.shape_cast %sub3A : vector<768xf32> to vector<1x1x768xf32>
    %get3A_16 = arith.constant 0 : index
    %get3A_17 = arith.constant 0 : index
    %get3A_18 = arith.constant 0 : index
    %get3A_19 = vector.load %arg3[%get3A_16, %get3A_17, %get3A_18] : memref<1x4x512xi32, #tpu.memory_space<vmem>>, vector<1x4x512xi32>
    %get3A_20 = vector.shape_cast %get3A_19 : vector<1x4x512xi32> to vector<4x512xi32>
    %convert_element_type3A = arith.sitofp %get3A_20 : vector<4x512xi32> to vector<4x512xf32>
    %get3A_21 = arith.constant 0 : index
    %get3A_22 = arith.constant 0 : index
    %get3A_23 = arith.constant 0 : index
    %get3A_24 = vector.load %arg1[%get3A_21, %get3A_22, %get3A_23] : memref<4x512x768xf32, #tpu.memory_space<vmem>>, vector<4x512x768xf32>
    %broadcast_in_dim3A_25 = vector.shape_cast %add3A_6 : vector<512x768xf32> to vector<1x512x768xf32>
    %add3A_26 = vector.broadcast %broadcast_in_dim3A_25 : vector<1x512x768xf32> to vector<4x512x768xf32>
    %add3A_27 = arith.addf %get3A_24, %add3A_26 : vector<4x512x768xf32>
    %broadcast_in_dim3A_28 = vector.shape_cast %convert_element_type3A : vector<4x512xf32> to vector<4x512x1xf32>
    %mul3A = vector.broadcast %broadcast_in_dim3A_28 : vector<4x512x1xf32> to vector<4x512x768xf32>
    %mul3A_29 = vector.broadcast %broadcast_in_dim3A_15 : vector<1x1x768xf32> to vector<4x512x768xf32>
    %mul3A_30 = arith.mulf %mul3A, %mul3A_29 : vector<4x512x768xf32>
    %add3A_31 = arith.addf %add3A_27, %mul3A_30 : vector<4x512x768xf32>
    %reduce_sum3A = arith.constant dense<0.000000e+00> : vector<4x512xf32>
    %reduce_sum3A_32 = vector.multi_reduction <add>, %add3A_31, %reduce_sum3A [2] : vector<4x512x768xf32> to vector<4x512xf32>
    %broadcast_in_dim3A_33 = vector.shape_cast %reduce_sum3A_32 : vector<4x512xf32> to vector<4x512x1xf32>
    %div3A = arith.constant 7.680000e+02 : f32
    %div3A_34 = vector.broadcast %div3A : f32 to vector<4x512x1xf32>
    %div3A_35 = arith.divf %broadcast_in_dim3A_33, %div3A_34 : vector<4x512x1xf32>
    %sub3A_36 = vector.broadcast %div3A_35 : vector<4x512x1xf32> to vector<4x512x768xf32>
    %sub3A_37 = arith.subf %add3A_31, %sub3A_36 : vector<4x512x768xf32>
    %mul3A_38 = arith.mulf %sub3A_37, %sub3A_37 : vector<4x512x768xf32>
    %reduce_sum3A_39 = arith.constant dense<0.000000e+00> : vector<4x512xf32>
    %reduce_sum3A_40 = vector.multi_reduction <add>, %mul3A_38, %reduce_sum3A_39 [2] : vector<4x512x768xf32> to vector<4x512xf32>
    %broadcast_in_dim3A_41 = vector.shape_cast %reduce_sum3A_40 : vector<4x512xf32> to vector<4x512x1xf32>
    %div3A_42 = arith.constant 7.680000e+02 : f32
    %div3A_43 = vector.broadcast %div3A_42 : f32 to vector<4x512x1xf32>
    %div3A_44 = arith.divf %broadcast_in_dim3A_41, %div3A_43 : vector<4x512x1xf32>
    %add3A_45 = arith.constant 9.99999996E-13 : f32
    %add3A_46 = vector.broadcast %add3A_45 : f32 to vector<4x512x1xf32>
    %add3A_47 = arith.addf %div3A_44, %add3A_46 : vector<4x512x1xf32>
    %rsqrt3A = math.rsqrt %add3A_47 : vector<4x512x1xf32>
    %mul3A_48 = vector.broadcast %rsqrt3A : vector<4x512x1xf32> to vector<4x512x768xf32>
    %mul3A_49 = arith.mulf %sub3A_37, %mul3A_48 : vector<4x512x768xf32>
    %get3A_50 = arith.constant 0 : index
    %get3A_51 = arith.constant 0 : index
    %get3A_52 = vector.load %arg5[%get3A_50, %get3A_51] : memref<1x768xf32, #tpu.memory_space<vmem>>, vector<1x768xf32>
    %get3A_53 = vector.shape_cast %get3A_52 : vector<1x768xf32> to vector<768xf32>
    %broadcast_in_dim3A_54 = vector.shape_cast %get3A_53 : vector<768xf32> to vector<1x1x768xf32>
    %mul3A_55 = vector.broadcast %broadcast_in_dim3A_54 : vector<1x1x768xf32> to vector<4x512x768xf32>
    %mul3A_56 = arith.mulf %mul3A_49, %mul3A_55 : vector<4x512x768xf32>
    %get3A_57 = arith.constant 0 : index
    %get3A_58 = arith.constant 0 : index
    %get3A_59 = vector.load %arg6[%get3A_57, %get3A_58] : memref<1x768xf32, #tpu.memory_space<vmem>>, vector<1x768xf32>
    %get3A_60 = vector.shape_cast %get3A_59 : vector<1x768xf32> to vector<768xf32>
    %broadcast_in_dim3A_61 = vector.shape_cast %get3A_60 : vector<768xf32> to vector<1x1x768xf32>
    %add3A_62 = vector.broadcast %broadcast_in_dim3A_61 : vector<1x1x768xf32> to vector<4x512x768xf32>
    %add3A_63 = arith.addf %mul3A_56, %add3A_62 : vector<4x512x768xf32>
    %swap3A = arith.constant 0 : index
    %swap3A_64 = arith.constant 0 : index
    %swap3A_65 = arith.constant 0 : index
    %swap3A_66 = vector.load %arg7[%swap3A, %swap3A_64, %swap3A_65] : memref<4x512x768xf32, #tpu.memory_space<vmem>>, vector<4x512x768xf32>
    tpu.vector_store %arg7[%swap3A, %swap3A_64, %swap3A_65], %add3A_63 {strides = array<i32>} : memref<4x512x768xf32, #tpu.memory_space<vmem>>, vector<4x512x768xf32>,
    return
  }
  func.func @transform_0(%arg0: i32) -> (i32, i32, i32) {
    %c0_i32 = arith.constant 0 : i32
    %c0_i32_0 = arith.constant 0 : i32
    %c0_i32_1 = arith.constant 0 : i32
    return %c0_i32, %arg0, %c0_i32_0 : i32, i32, i32
  }
  func.func @transform_1(%arg0: i32) -> (i32, i32) {
    %c0_i32 = arith.constant 0 : i32
    %c0_i32_0 = arith.constant 0 : i32
    return %arg0, %c0_i32 : i32, i32
  }
  func.func @transform_2(%arg0: i32) -> (i32, i32, i32) {
    %c0_i32 = arith.constant 0 : i32
    %c0_i32_0 = arith.constant 0 : i32
    %c0_i32_1 = arith.constant 0 : i32
    return %arg0, %c0_i32, %c0_i32_0 : i32, i32, i32
  }
  func.func @transform_3(%arg0: i32) -> (i32, i32) {
    %c0_i32 = arith.constant 0 : i32
    %c0_i32_0 = arith.constant 0 : i32
    %c0_i32_1 = arith.constant 0 : i32
    return %c0_i32, %c0_i32_0 : i32, i32
  }
  func.func @transform_4(%arg0: i32) -> (i32, i32) {
    %c0_i32 = arith.constant 0 : i32
    %c0_i32_0 = arith.constant 0 : i32
    %c0_i32_1 = arith.constant 0 : i32
    return %c0_i32, %c0_i32_0 : i32, i32
  }
  func.func @transform_5(%arg0: i32) -> (i32, i32) {
    %c0_i32 = arith.constant 0 : i32
    %c0_i32_0 = arith.constant 0 : i32
    %c0_i32_1 = arith.constant 0 : i32
    return %c0_i32, %c0_i32_0 : i32, i32
  }
  func.func @transform_6(%arg0: i32) -> (i32, i32, i32) {
    %c0_i32 = arith.constant 0 : i32
    %c0_i32_0 = arith.constant 0 : i32
    %c0_i32_1 = arith.constant 0 : i32
    return %c0_i32, %arg0, %c0_i32_0 : i32, i32, i32
  }
}

</mosaic_0001>

<sc_bundles>
// kernel: kernel.4.cloned.1.call-start
scs
__scs_entry_jumppad:
0x0: {  	(pc) =	sbr.rel $0x88, $3  }
0x1: {  	(tag) =	ssettag $0x0;
	lr =	simm.s32 $0x1  }
0x2: {  	[smem:$0x3F9A] =	sst lr;
	_ =	strace $0xD0000000  }
0x3: {  	_ = 	snop  }
0x4: {  	_ = 	snop  }
0x5: {  	_ = 	snop  }
0x6: {  	_ = 	snop  }
0x7: {  	_ = 	snop  }
__scs_overlays_trampoline_lowered:
0x8: {  	[smem:$0x3FA9] =	sst s0  }
0x9: {  	[smem:$0x3FAA] =	sst s1  }
0xa: {  	[smem:$0x3FAB] =	sst s2  }
0xb: {  	[smem:$0x3FAC] =	sst s3  }
0xc: {  	[smem:$0x3FAD] =	sst s4  }
0xd: {  	[smem:$0x3FAE] =	sst s5  }
0xe: {  	[smem:$0x3FAF] =	sst s6  }
0xf: {  	[smem:$0x3FB0] =	sst s7  }
0x10: {  	[smem:$0x3FB1] =	sst s8  }
0x11: {  	[smem:$0x3FB2] =	sst s9;
	s0 =	simm.s32 @!p0 $0x0  }
0x12: {  	s1 =	sld [smem:$0x3F98];
	s0 =	simm.s32 @p0 $0x1  }
0x13: {  	[smem:$0x3FB3] =	sst s0;
	s0 =	simm.s32 @!p1 $0x0  }
0x14: {  	s2 =	sld [smem:$0x3F97];
	s0 =	simm.s32 @p1 $0x1  }
0x15: {  	[smem:$0x3FB4] =	sst s0;
	s0 =	simm.s32 @!p2 $0x0  }
0x16: {  	s3 =	sld [smem:$0x3FDB];
	s0 =	simm.s32 @p2 $0x1  }
0x17: {  	s4 =	simm.s32 $0x1BF5;
	[smem:$0x3FB6] =	sst s0  }
0x18: {  	s0 =	sld [smem:$0x3F99];
	_ =	swait.ge [sflag:s4], $0x0  }
0x19: {  	s7 =	sld [smem:$0x3F9A]  }
0x1a: {  	s8 =	sadd.s32 $0xFFFFE003, lr  }
0x1b: {  	s9 =	sadd.s32 $0xFFFFFEF7, lr;
	s5 =	simm.s32 $0xFFFFFFFF;
	p2 =	slt.u32 s8, $0xFFFFF086  }
0x1c: {  	p1 =	slt.u32 s9, $0xF7A;
	s5 =	simm.s32 @!p2 $0x0  }
0x1d: {  	s5 =	simm.s32 @p1 $0x1;
	p0 =	seq.s32 s7, s2  }
0x1e: {  	s7 =	smul.u32 @!p0 $0xF7A, s2;
	p2 =	seq.s32 @!p0 s5, $0x0  }
0x1f: {  	s9 =	smul.u32 $0xF7A, s1;
	s8 =	simm.s32 @!p0 $0x1BF5;
	p2 =	por !p2, p0  }
0x20: {  	[sflag:s8] =	ssyncset.s32 @!p0 $0xFFFFF086;
	s6 =	sadd.s32 @!p0 s3, s7;
	s7 =	simm.s32 @!p0 $0x108  }
0x21: {  	s3 =	sadd.s32 s3, s9;
	s6 =	sadd.s32 @!p0 $0x88, s6;
	s7 =	simm.s32 @p2 $0x1082  }
0x22: {  	[simem:s7], [sflag:s8] =	dma.local @!p0 [hbm:s6], $0xF7A  }
0x23: {  	s9 =	sor.u32 $0xD0000000, s2;
	s6 =	simm.s32 $0x108;
	_ =	swait.ge @!p0 [sflag:s8], $0x0  }
0x24: {  	s3 =	sadd.s32 $0x88, s3;
	s6 =	simm.s32 @!p1 $0x1082;
	[sflag:s4] =	ssyncset.s32 $0xFFFFF086  }
0x25: {  	[simem:s6], [sflag:s4] =	dma.local [hbm:s3], $0xF7A  }
0x26: {  	[smem:$0x3F9A] =	sst s1;
	(tag) =	ssettag s2;
	_ =	strace s9  }
0x27: {  	s1 =	sld [smem:$0x3FAA]  }
0x28: {  	s2 =	sld [smem:$0x3FAB]  }
0x29: {  	s4 =	sld [smem:$0x3FAD]  }
0x2a: {  	p0 =	seq.s32 s5, $0x0;
	s5 =	sld [smem:$0x3FAE]  }
0x2b: {  	s6 =	sld [smem:$0x3FAF]  }
0x2c: {  	s7 =	sld [smem:$0x3FB0]  }
0x2d: {  	s3 =	simm.s32 $0x108;
	s8 =	sld [smem:$0x3FB1]  }
0x2e: {  	s3 =	simm.s32 @!p0 $0x1082;
	s9 =	sld [smem:$0x3FB2]  }
0x2f: {  	lr =	sadd.s32 s0, s3;
	s0 =	sld [smem:$0x3FA9]  }
0x30: {  	s3 =	sld [smem:$0x3FAC]  }
0x31: {  	[smem:$0x3FB5] =	sst s10  }
0x32: {  	s10 =	sld [smem:$0x3FB3];
	_ =	sdelay $0x3  }
0x33: {  	p0 =	seq.s32 s10, $0x1;
	s10 =	sld [smem:$0x3FB5];
	_ =	sdelay $0x3  }
0x34: {  	[smem:$0x3FB5] =	sst s10  }
0x35: {  	s10 =	sld [smem:$0x3FB4];
	_ =	sdelay $0x3  }
0x36: {  	p1 =	seq.s32 s10, $0x1;
	s10 =	sld [smem:$0x3FB5];
	_ =	sdelay $0x3  }
0x37: {  	[smem:$0x3FB5] =	sst s10  }
0x38: {  	s10 =	sld [smem:$0x3FB6]  }
0x39: {  	_ = 	snop;
	(pc) =	sbr.ind lr, $3  }
0x3a: {  	_ = 	snop  }
0x3b: {  	_ = 	snop  }
0x3c: {  	p2 =	seq.s32 s10, $0x1;
	s10 =	sld [smem:$0x3FB5]  }
0x3d: {  	_ =	shalt  }
0x3e: {  	_ =	shalt  }
0x3f: {  	_ =	shalt  }
0x40: {  	_ =	shalt  }
0x41: {  	_ =	shalt  }
0x42: {  	_ =	shalt  }
0x43: {  	_ =	shalt  }
0x44: {  	_ =	shalt  }
0x45: {  	_ =	shalt  }
0x46: {  	_ =	shalt  }
0x47: {  	_ =	shalt  }
0x48: {  	_ =	shalt  }
0x49: {  	_ =	shalt  }
0x4a: {  	_ =	shalt  }
0x4b: {  	_ =	shalt  }
0x4c: {  	_ =	shalt  }
0x4d: {  	_ =	shalt  }
0x4e: {  	_ =	shalt  }
0x4f: {  	_ =	shalt  }
0x50: {  	_ =	shalt  }
0x51: {  	_ =	shalt  }
0x52: {  	_ =	shalt  }
0x53: {  	_ =	shalt  }
0x54: {  	_ =	shalt  }
0x55: {  	_ =	shalt  }
0x56: {  	_ =	shalt  }
0x57: {  	_ =	shalt  }
0x58: {  	_ =	shalt  }
0x59: {  	_ =	shalt  }
0x5a: {  	_ =	shalt  }
0x5b: {  	_ =	shalt  }
0x5c: {  	_ =	shalt  }
0x5d: {  	_ =	shalt  }
0x5e: {  	_ =	shalt  }
0x5f: {  	_ =	shalt  }
0x60: {  	_ =	shalt  }
0x61: {  	_ =	shalt  }
0x62: {  	_ =	shalt  }
0x63: {  	_ =	shalt  }
0x64: {  	_ =	shalt  }
0x65: {  	_ =	shalt  }
0x66: {  	_ =	shalt  }
0x67: {  	_ =	shalt  }
0x68: {  	_ =	shalt  }
0x69: {  	_ =	shalt  }
0x6a: {  	_ =	shalt  }
0x6b: {  	_ =	shalt  }
0x6c: {  	_ =	shalt  }
0x6d: {  	_ =	shalt  }
0x6e: {  	_ =	shalt  }
0x6f: {  	_ =	shalt  }
0x70: {  	_ =	shalt  }
0x71: {  	_ =	shalt  }
0x72: {  	_ =	shalt  }
0x73: {  	_ =	shalt  }
0x74: {  	_ =	shalt  }
0x75: {  	_ =	shalt  }
0x76: {  	_ =	shalt  }
0x77: {  	_ =	shalt  }
0x78: {  	_ =	shalt  }
0x79: {  	_ =	shalt  }
0x7a: {  	_ =	shalt  }
0x7b: {  	_ =	shalt  }
0x7c: {  	_ =	shalt  }
0x7d: {  	_ =	shalt  }
0x7e: {  	_ =	shalt  }
0x7f: {  	_ =	shalt  }
0x80: {  	_ =	shalt  }
0x81: {  	_ =	shalt  }
0x82: {  	_ =	shalt  }
0x83: {  	_ =	shalt  }
0x84: {  	_ =	shalt  }
0x85: {  	_ =	shalt  }
0x86: {  	_ =	shalt  }
0x87: {  	_ =	shalt  }
.Lfunc_end0:
.L_simem_size_0:
called_computation_lowered:
.L_overlay_start_0:
0x88: {  	s2 =	sld [smem:$0x3FD9]  }
0x89: {  	s3 =	sld [smem:$0x3FFE];
	_ =	sdelay $0x1  }
0x8a: {  	s1 =	srdreg.scid  }
0x8b: {  	s0 =	sand.u32 $0x1, s1  }
0x8c: {  	s15 =	sshll.u32 s0, $0xA;
	s2 =	sadd.s32 s3, s2  }
0x8d: {  	s2 =	sadd.s32 s2, s15  }
0x8e: {  	[smem:$0x3FC1] =	sst s2  }
0x8f: {  	_ = 	snop  }
0x90: {  	s2 =	sld [smem:$0x3FD0];
	_ =	sdelay $0x2  }
0x91: {  	s4 =	simm.s32 $0xA;
	s5 =	simm.s32 $0x10;
	s16 =	sld [smem:$0x3FC7]  }
0x92: {  	[smem:s5], [sflag:s4] =	dma.local [hbm:s2], $0x1  }
0x93: {  	_ =	swait.eq [sflag:s4], $0x1  }
0x94: {  	[sflag:s4] =	ssyncset.done $0x0  }
0x95: {  	s17 =	sld [smem:$0x10];
	[sflag:s4] =	ssyncadd.s32 $0xFFFFFFFF  }
0x96: {  	s18 =	sld [smem:$0x11];
	(tm) =	ssettm $0x1  }
0x97: {  	s19 =	sld [smem:$0x3FFB];
	_ =	sdelay $0x3  }
0x98: {  	_ =	strace s19  }
0x99: {  	s5 =	sld [smem:$0x3FFC];
	_ =	sdelay $0x3  }
0x9a: {  	_ =	strace s5  }
0x9b: {  	s5 =	sld [smem:$0x3FFD];
	_ =	sdelay $0x3  }
0x9c: {  	_ =	strace s5  }
0x9d: {  	_ =	strace $0x8FFFFFFF  }
0x9e: {  	s20 =	sld [smem:$0x3FDB];
	_ =	sdelay $0x1  }
0x9f: {  	s6 =	simm.s32 $_scs_section_size  }
0xa0: {  	s7 =	simm.s32 $_size__tile_overlayer_lowered;
	s8 =	simm.s32 $_tile_overlayer_lowered  }
0xa1: {  	s23 =	simm.s32 $0x1BFF;
	s22 =	sshll.u32 s8, $0x1;
	s5 =	sadd.s32 s6, s20  }
0xa2: {  	s9 =	simm.s32 $0x0;
	s21 =	sshll.u32 s7, $0x1;
	s7 =	sadd.s32 s22, s5  }
0xa3: {  	[timem:s9], [sflag:s23] =	dma.local [hbm:s7], s21  }
0xa4: {  	_ =	swait.ge [sflag:s23], s21  }
0xa5: {  	s6 =	ssub.s32 $0x0, s21;
	[sflag:s23] =	ssyncset.done $0x0  }
0xa6: {  	[sflag:s23] =	ssyncadd.s32 s6;
	_ =	sdelay $0x1  }
0xa7: {  	s24 =	simm.s32 $0x1B8B  }
0xa8: {  	_ =	swait.ge [sflag:s24], $0x1  }
0xa9: {  	[sflag:s24] =	ssyncset.done $0x0  }
0xaa: {  	s25 =	simm.s32 $0x1B8E;
	[sflag:s24] =	ssyncadd.s32 $0xFFFFFFFF  }
0xab: {  	s26 =	simm.s32 $execute0_lowered;
	[smem:$0x3FD2] =	sst s25  }
0xac: {  	s6 =	sshll.u32 s26, $0x1;
	_ =	strace $0x80000046;
	[dreg:$0x1] =	wrdreg $0xFFFFFFFF  }
0xad: {  	s28 =	simm.s32 $_size_execute0_lowered;
	s5 =	sadd.s32 s5, s6;
	[dreg:$0x0] =	wrdreg $0x0  }
0xae: {  	s6 =	sshll.u32 s28, $0x1;
	[dreg:$0x2] =	wrdreg s5  }
0xaf: {  	[dreg:$0x3] =	wrdreg s6  }
0xb0: {  	[dreg:$0x4] =	wrdreg $0xC0  }
0xb1: {  	_ =	task [dreg:s9], $0x5FFFF  }
0xb2: {  	[dreg:$0x1] =	wrdreg $0xFFFFFFFF  }
0xb3: {  	[dreg:$0x0] =	wrdreg $0x60  }
0xb4: {  	[dreg:$0x2] =	wrdreg s17  }
0xb5: {  	[dreg:$0x3] =	wrdreg s16  }
0xb6: {  	[dreg:$0x4] =	wrdreg s18  }
0xb7: {  	[dreg:$0x5] =	wrdreg $0x9  }
0xb8: {  	_ =	task.clear_ibuf [dreg:s9], $0x6FFFF;
	_ =	strace $0x90000046  }
0xb9: {  	s29 =	simm.s32 $0x9;
	_ =	strace $0x80000048  }
0xba: {  	_ =	swait.ge [sflag:s29], $0x1  }
0xbb: {  	[sflag:s29] =	ssyncadd.s32 $0xFFFFFFFF  }
0xbc: {  	_ =	strace $0x90000048  }
0xbd: {  	_ =	sfence  }
0xbe: {  	s30 =	sld [smem:$0x0];
	_ =	sdelay $0x2  }
0xbf: {  	s31 =	sshll.u32 s1, $0xD;
	s1 =	sshrl.u32 s1, $0x2  }
0xc0: {  	s3 =	sand.u32 $0x4000, s31;
	s1 =	sadd.s32 s1, s30  }
0xc1: {  	s0 =	sor.u32 s3, s0;
	s1 =	sshll.u32 s1, $0x11  }
0xc2: {  	s0 =	sor.u32 s1, s0  }
0xc3: {  	s0 =	sadd.s32 $0x8F2B, s0  }
0xc4: {  	[sflag:s0] =	ssyncadd.remote.s32 $0x1  }
0xc5: {  	_ =	sfence.sel $0xFFFF  }
0xc6: {  	[dreg:$0x0] =	wrdreg $0xFFFFFFFF;
	(pc) =	sbr.abs _section_cstart, $3  }
0xc7: {  	[dreg:$0x1] =	wrdreg $0xFFFFFFFF  }
0xc8: {  	_ =	task.clear_ibuf [dreg:s9], $0x2FFFF;
	_ =	strace $0x9FFFFFFF  }
0xc9: {  	(tm) =	ssettm $0x7FFFFFFF  }
tec
execute0_lowered:
.L_overlay_start_1:
0x0: {  	(tag) =	ssettag $0x1  }
0x1: {  	s0 =	rddreg [dreg:$0x0]  }
0x2: {  	s2 =	rddreg [dreg:$0x1];
	s1 =	srdreg.scid  }
0x3: {  	s3 =	rddreg [dreg:$0x2];
	s4 =	stileid.u32  }
0x4: {  	s14 =	simm.s32 $0x6100;
	s15 =	simm.s32 $0xC100;
	s28 =	simm.s32 $0x5  }
0x5: {  	s29 =	simm.s32 $0x2;
	s30 =	simm.s32 $0x6;
	s31 =	simm.s32 $0x3  }
0x6: {  	s9 =	simm.s32 $0x4;
	s12 =	simm.s32 $0x8;
	s16 =	simm.s32 $0x0  }
0x7: {  	s17 =	simm.s32 $0x13100;
	s19 =	simm.s32 $0x13900;
	s20 =	simm.s32 $0x14100  }
0x8: {  	s21 =	simm.s32 $0x14900;
	s22 =	simm.s32 $0x15100;
	s23 =	simm.s32 $0x15900  }
0x9: {  	s24 =	simm.s32 $0x16100;
	s1 =	sand.u32 $0x1, s1;
	s5 =	sshll.u32 s4, $0x9  }
0xa: {  	s4 =	simm.s32 $0x0;
	s8 =	sadd.s32 $0x200, s2;
	s10 =	sadd.s32 $0x1800, s3  }
0xb: {  	s11 =	sadd.s32 $0x2400, s3;
	s6 =	sshll.u32 s1, $0x8;
	s1 =	ssub.s32 $0x2, s1  }
0xc: {  	[smem:$0x7FF] =	sst s4;
	s5 =	sor.u32 s6, s5;
	s25 =	sshrl.u32 s1, $0x1  }
0xd: {  	_ =	strace $0x80000047;
	s6 =	simm.s32 $0x7;
	s7 =	sshrl.u32 s5, $0x3  }
0xe: {  	v2 =	vlaneseq.u32;
	s1 =	ssub.s32 s1, s25;
	s0 =	sadd.s32 s0, s7;
	s7 =	sadd.s32 $0x100, s2  }
0xf: {  	vm0 =	vmmov $0xffff;
	v1 =	vshrl.u32 v2, $0x3;
	s26 =	smax.u32 s1, $0x1;
	s1 =	simm.s32 $0x100;
	[dreg:$0x4] =	wrdreg s0  }
0x10: {  	v0 =	vand.u32 $0x7, v2;
	v2 =	vor.u32 $0x8, v2;
	v1 =	vmul.u32 $0x8, v1;
	[dreg:$0x5] =	wrdreg s26;
	s0 =	simm.s32 $0x12100;
	s26 =	simm.s32 $0x1  }
.LBB2_1:
0x11: {  	[dreg:$0x6] =	wrdreg s16  }
0x12: {  	s13 =	rddreg [dreg:$0x4];
	s25 =	simm.s32 $0x9  }
0x13: {  	[tilespmem:s4], [sflag:$0x9] =	stream.linear.gather [hbm4b:s13+s4], $0x100, $0x38;
	[tilespmem:$0x18100] =	vst v63  }
0x14: {  	_ =	swait.ge [sflag:s25], $0x100  }
0x15: {  	[sflag:s25] =	ssyncset.done $0x0  }
0x16: {  	[sflag:s25] =	ssyncadd.s32 $0xFFFFFF00  }
0x17: {  	v3 =	vld [tilespmem:$0x0];
	_ =	sdelay $0x4  }
0x18: {  	v4 =	vshrl.u32 v3, $0x3  }
0x19: {  	v4 =	vmul.u32 $0x30, v4  }
0x1a: {  	v3 =	vand.u32 $0x7, v3  }
0x1b: {  	v3 =	vor.u32 v3, v4  }
0x1c: {  	v4 =	vperm.xlane v3, v0;
	_ =	sdelay $0x1  }
0x1d: {  	v4 =	vadd.s32 v1, v4;
	_ =	sdelay $0x3  }
0x1e: {  	v3 =	vperm.xlane v3, v2  }
0x1f: {  	[tilespmem:s1], [sflag:$0x1] =	stream.indirect_vreg.gather [hbm4b:s2+s4], $0x80, v4, vm0, $0xb8;
	[tilespmem:$0x18100] =	vst v63  }
0x20: {  	s16 =	simm.s32 $0x900;
	v3 =	vadd.s32 v1, v3  }
0x21: {  	[tilespmem:s16], [sflag:$0x1] =	stream.indirect_vreg.gather [hbm4b:s7+s4], $0x80, v4, vm0, $0xb8;
	[tilespmem:$0x18100] =	vst v63  }
0x22: {  	s18 =	simm.s32 $0x1100  }
0x23: {  	[tilespmem:s18], [sflag:$0x1] =	stream.indirect_vreg.gather [hbm4b:s8+s4], $0x80, v4, vm0, $0xb8;
	[tilespmem:$0x18100] =	vst v63  }
0x24: {  	s25 =	simm.s32 $0x1900  }
0x25: {  	[tilespmem:s25], [sflag:$0x1] =	stream.indirect_vreg.gather [hbm4b:s2+s4], $0x80, v3, vm0, $0xb8;
	[tilespmem:$0x18100] =	vst v63  }
0x26: {  	s13 =	simm.s32 $0x2100  }
0x27: {  	[tilespmem:s13], [sflag:$0x1] =	stream.indirect_vreg.gather [hbm4b:s7+s4], $0x80, v3, vm0, $0xb8;
	[tilespmem:$0x18100] =	vst v63  }
0x28: {  	s16 =	simm.s32 $0x2900  }
0x29: {  	[tilespmem:s16], [sflag:$0x1] =	stream.indirect_vreg.gather [hbm4b:s8+s4], $0x80, v3, vm0, $0xb8;
	[tilespmem:$0x18100] =	vst v63  }
0x2a: {  	v3 =	vld [tilespmem:$0x10];
	_ =	sdelay $0x4  }
0x2b: {  	v59 =	vshrl.u32 v3, $0x3  }
0x2c: {  	v4 =	vmul.u32 $0x30, v59  }
0x2d: {  	v3 =	vand.u32 $0x7, v3  }
0x2e: {  	v3 =	vor.u32 v3, v4  }
0x2f: {  	v4 =	vperm.xlane v3, v0;
	_ =	sdelay $0x1  }
0x30: {  	v4 =	vadd.s32 v1, v4;
	_ =	sdelay $0x3  }
0x31: {  	s18 =	simm.s32 $0x3100;
	v3 =	vperm.xlane v3, v2  }
0x32: {  	[tilespmem:s18], [sflag:$0x1] =	stream.indirect_vreg.gather [hbm4b:s2+s4], $0x80, v4, vm0, $0xb8;
	[tilespmem:$0x18100] =	vst v63  }
0x33: {  	s25 =	simm.s32 $0x3900;
	v3 =	vadd.s32 v1, v3  }
0x34: {  	[tilespmem:s25], [sflag:$0x1] =	stream.indirect_vreg.gather [hbm4b:s7+s4], $0x80, v4, vm0, $0xb8;
	[tilespmem:$0x18100] =	vst v63  }
0x35: {  	s13 =	simm.s32 $0x4100  }
0x36: {  	[tilespmem:s13], [sflag:$0x1] =	stream.indirect_vreg.gather [hbm4b:s8+s4], $0x80, v4, vm0, $0xb8;
	[tilespmem:$0x18100] =	vst v63  }
0x37: {  	s16 =	simm.s32 $0x4900  }
0x38: {  	[tilespmem:s16], [sflag:$0x1] =	stream.indirect_vreg.gather [hbm4b:s2+s4], $0x80, v3, vm0, $0xb8;
	[tilespmem:$0x18100] =	vst v63  }
0x39: {  	s18 =	simm.s32 $0x5100  }
0x3a: {  	[tilespmem:s18], [sflag:$0x1] =	stream.indirect_vreg.gather [hbm4b:s7+s4], $0x80, v3, vm0, $0xb8;
	[tilespmem:$0x18100] =	vst v63  }
0x3b: {  	s25 =	simm.s32 $0x5900  }
0x3c: {  	[tilespmem:s25], [sflag:$0x1] =	stream.indirect_vreg.gather [hbm4b:s8+s4], $0x80, v3, vm0, $0xb8;
	[tilespmem:$0x18100] =	vst v63  }
0x3d: {  	v3 =	vld [tilespmem:$0x20];
	_ =	sdelay $0x4  }
0x3e: {  	v60 =	vshrl.u32 v3, $0x3  }
0x3f: {  	v4 =	vmul.u32 $0x30, v60  }
0x40: {  	v3 =	vand.u32 $0x7, v3  }
0x41: {  	v3 =	vor.u32 v3, v4  }
0x42: {  	v4 =	vperm.xlane v3, v0;
	_ =	sdelay $0x1  }
0x43: {  	v4 =	vadd.s32 v1, v4;
	_ =	sdelay $0x3  }
0x44: {  	v3 =	vperm.xlane v3, v2  }
0x45: {  	[tilespmem:s14], [sflag:$0x2] =	stream.indirect_vreg.gather [hbm4b:s2+s4], $0x80, v4, vm0, $0xb8;
	[tilespmem:$0x18100] =	vst v63  }
0x46: {  	s13 =	simm.s32 $0x6900;
	v3 =	vadd.s32 v1, v3  }
0x47: {  	[tilespmem:s13], [sflag:$0x2] =	stream.indirect_vreg.gather [hbm4b:s7+s4], $0x80, v4, vm0, $0xb8;
	[tilespmem:$0x18100] =	vst v63  }
0x48: {  	s14 =	simm.s32 $0x7100  }
0x49: {  	[tilespmem:s14], [sflag:$0x2] =	stream.indirect_vreg.gather [hbm4b:s8+s4], $0x80, v4, vm0, $0xb8;
	[tilespmem:$0x18100] =	vst v63  }
0x4a: {  	s16 =	simm.s32 $0x7900  }
0x4b: {  	[tilespmem:s16], [sflag:$0x2] =	stream.indirect_vreg.gather [hbm4b:s2+s4], $0x80, v3, vm0, $0xb8;
	[tilespmem:$0x18100] =	vst v63  }
0x4c: {  	s18 =	simm.s32 $0x8100  }
0x4d: {  	[tilespmem:s18], [sflag:$0x2] =	stream.indirect_vreg.gather [hbm4b:s7+s4], $0x80, v3, vm0, $0xb8;
	[tilespmem:$0x18100] =	vst v63  }
0x4e: {  	s25 =	simm.s32 $0x8900  }
0x4f: {  	[tilespmem:s25], [sflag:$0x2] =	stream.indirect_vreg.gather [hbm4b:s8+s4], $0x80, v3, vm0, $0xb8;
	[tilespmem:$0x18100] =	vst v63  }
0x50: {  	v3 =	vld [tilespmem:$0x30];
	_ =	sdelay $0x4  }
0x51: {  	v61 =	vshrl.u32 v3, $0x3  }
0x52: {  	v4 =	vmul.u32 $0x30, v61  }
0x53: {  	v3 =	vand.u32 $0x7, v3  }
0x54: {  	v3 =	vor.u32 v3, v4  }
0x55: {  	v4 =	vperm.xlane v3, v0;
	_ =	sdelay $0x1  }
0x56: {  	v4 =	vadd.s32 v1, v4;
	_ =	sdelay $0x3  }
0x57: {  	s13 =	simm.s32 $0x9100;
	v3 =	vperm.xlane v3, v2  }
0x58: {  	[tilespmem:s13], [sflag:$0x2] =	stream.indirect_vreg.gather [hbm4b:s2+s4], $0x80, v4, vm0, $0xb8;
	[tilespmem:$0x18100] =	vst v63  }
0x59: {  	s14 =	simm.s32 $0x9900;
	v3 =	vadd.s32 v1, v3  }
0x5a: {  	[tilespmem:s14], [sflag:$0x2] =	stream.indirect_vreg.gather [hbm4b:s7+s4], $0x80, v4, vm0, $0xb8;
	[tilespmem:$0x18100] =	vst v63  }
0x5b: {  	s16 =	simm.s32 $0xA100  }
0x5c: {  	[tilespmem:s16], [sflag:$0x2] =	stream.indirect_vreg.gather [hbm4b:s8+s4], $0x80, v4, vm0, $0xb8;
	[tilespmem:$0x18100] =	vst v63  }
0x5d: {  	s18 =	simm.s32 $0xA900  }
0x5e: {  	[tilespmem:s18], [sflag:$0x2] =	stream.indirect_vreg.gather [hbm4b:s2+s4], $0x80, v3, vm0, $0xb8;
	[tilespmem:$0x18100] =	vst v63  }
0x5f: {  	s25 =	simm.s32 $0xB100  }
0x60: {  	[tilespmem:s25], [sflag:$0x2] =	stream.indirect_vreg.gather [hbm4b:s7+s4], $0x80, v3, vm0, $0xb8;
	[tilespmem:$0x18100] =	vst v63  }
0x61: {  	s13 =	simm.s32 $0xB900  }
0x62: {  	[tilespmem:s13], [sflag:$0x2] =	stream.indirect_vreg.gather [hbm4b:s8+s4], $0x80, v3, vm0, $0xb8;
	[tilespmem:$0x18100] =	vst v63  }
0x63: {  	v3 =	vld [tilespmem:$0x40];
	_ =	sdelay $0x4  }
0x64: {  	v62 =	vshrl.u32 v3, $0x3  }
0x65: {  	v4 =	vmul.u32 $0x30, v62  }
0x66: {  	v3 =	vand.u32 $0x7, v3  }
0x67: {  	v3 =	vor.u32 v3, v4  }
0x68: {  	v4 =	vperm.xlane v3, v0;
	_ =	sdelay $0x1  }
0x69: {  	v4 =	vadd.s32 v1, v4;
	_ =	sdelay $0x3  }
0x6a: {  	v3 =	vperm.xlane v3, v2  }
0x6b: {  	[tilespmem:s15], [sflag:$0x3] =	stream.indirect_vreg.gather [hbm4b:s2+s4], $0x80, v4, vm0, $0xb8;
	[tilespmem:$0x18100] =	vst v63  }
0x6c: {  	s14 =	simm.s32 $0xC900;
	v3 =	vadd.s32 v1, v3  }
0x6d: {  	[tilespmem:s14], [sflag:$0x3] =	stream.indirect_vreg.gather [hbm4b:s7+s4], $0x80, v4, vm0, $0xb8;
	[tilespmem:$0x18100] =	vst v63  }
0x6e: {  	s15 =	simm.s32 $0xD100  }
0x6f: {  	[tilespmem:s15], [sflag:$0x3] =	stream.indirect_vreg.gather [hbm4b:s8+s4], $0x80, v4, vm0, $0xb8;
	[tilespmem:$0x18100] =	vst v63  }
0x70: {  	s16 =	simm.s32 $0xD900  }
0x71: {  	[tilespmem:s16], [sflag:$0x3] =	stream.indirect_vreg.gather [hbm4b:s2+s4], $0x80, v3, vm0, $0xb8;
	[tilespmem:$0x18100] =	vst v63  }
0x72: {  	s18 =	simm.s32 $0xE100  }
0x73: {  	[tilespmem:s18], [sflag:$0x3] =	stream.indirect_vreg.gather [hbm4b:s7+s4], $0x80, v3, vm0, $0xb8;
	[tilespmem:$0x18100] =	vst v63  }
0x74: {  	s25 =	simm.s32 $0xE900  }
0x75: {  	[tilespmem:s25], [sflag:$0x3] =	stream.indirect_vreg.gather [hbm4b:s8+s4], $0x80, v3, vm0, $0xb8;
	[tilespmem:$0x18100] =	vst v63  }
0x76: {  	v3 =	vld [tilespmem:$0x50];
	_ =	sdelay $0x4  }
0x77: {  	v63 =	vshrl.u32 v3, $0x3  }
0x78: {  	v4 =	vmul.u32 $0x30, v63  }
0x79: {  	v3 =	vand.u32 $0x7, v3  }
0x7a: {  	v3 =	vor.u32 v3, v4  }
0x7b: {  	v4 =	vperm.xlane v3, v0;
	_ =	sdelay $0x1  }
0x7c: {  	v4 =	vadd.s32 v1, v4;
	_ =	sdelay $0x3  }
0x7d: {  	s13 =	simm.s32 $0xF100;
	v3 =	vperm.xlane v3, v2  }
0x7e: {  	[tilespmem:s13], [sflag:$0x3] =	stream.indirect_vreg.gather [hbm4b:s2+s4], $0x80, v4, vm0, $0xb8;
	[tilespmem:$0x18100] =	vst v63  }
0x7f: {  	s14 =	simm.s32 $0xF900;
	v3 =	vadd.s32 v1, v3  }
0x80: {  	[tilespmem:s14], [sflag:$0x3] =	stream.indirect_vreg.gather [hbm4b:s7+s4], $0x80, v4, vm0, $0xb8;
	[tilespmem:$0x18100] =	vst v63  }
0x81: {  	s15 =	simm.s32 $0x10100  }
0x82: {  	[tilespmem:s15], [sflag:$0x3] =	stream.indirect_vreg.gather [hbm4b:s8+s4], $0x80, v4, vm0, $0xb8;
	[tilespmem:$0x18100] =	vst v63  }
0x83: {  	s16 =	simm.s32 $0x10900  }
0x84: {  	[tilespmem:s16], [sflag:$0x3] =	stream.indirect_vreg.gather [hbm4b:s2+s4], $0x80, v3, vm0, $0xb8;
	[tilespmem:$0x18100] =	vst v63  }
0x85: {  	p1 =	por $0x0, $0x0;
	s1 =	simm.s32 $0x16900;
	s18 =	simm.s32 $0x11100  }
0x86: {  	[tilespmem:s18], [sflag:$0x3] =	stream.indirect_vreg.gather [hbm4b:s7+s4], $0x80, v3, vm0, $0xb8;
	[tilespmem:$0x18100] =	vst v63  }
0x87: {  	s25 =	simm.s32 $0x11900;
	s13 =	simm.s32 $0x0;
	s14 =	simm.s32 $0x17100  }
0x88: {  	[tilespmem:s25], [sflag:$0x3] =	stream.indirect_vreg.gather [hbm4b:s8+s4], $0x80, v3, vm0, $0xb8;
	[tilespmem:$0x18100] =	vst v63  }
0x89: {  	s15 =	simm.s32 $0x17900;
	s18 =	simm.s32 $0x60;
	s25 =	simm.s32 $0x70  }
.LBB2_2:
0x8a: {  	v3 =	vld [tilespmem:s18+$0x0];
	_ =	sdelay $0x4  }
0x8b: {  	v4 =	vshrl.u32 v3, $0x3  }
0x8c: {  	v4 =	vmul.u32 $0x30, v4  }
0x8d: {  	v3 =	vand.u32 $0x7, v3  }
0x8e: {  	v3 =	vor.u32 v3, v4  }
0x8f: {  	v4 =	vperm.xlane v3, v0;
	_ =	sdelay $0x1  }
0x90: {  	v4 =	vadd.s32 v1, v4;
	_ =	sdelay $0x3  }
0x91: {  	v3 =	vperm.xlane v3, v2  }
0x92: {  	[tilespmem:s0], [sflag:$0x4] =	stream.indirect_vreg.gather [hbm4b:s2+s4], $0x80, v4, vm0, $0xb8;
	[tilespmem:$0x18100] =	vst v63  }
0x93: {  	s16 =	simm.s32 $0x12900;
	v3 =	vadd.s32 v1, v3  }
0x94: {  	[tilespmem:s16], [sflag:$0x4] =	stream.indirect_vreg.gather [hbm4b:s7+s4], $0x80, v4, vm0, $0xb8;
	[tilespmem:$0x18100] =	vst v63  }
0x95: {  	_ = 	snop  }
0x96: {  	[tilespmem:s17], [sflag:$0x4] =	stream.indirect_vreg.gather [hbm4b:s8+s4], $0x80, v4, vm0, $0xb8;
	[tilespmem:$0x18100] =	vst v63  }
0x97: {  	_ = 	snop  }
0x98: {  	[tilespmem:s19], [sflag:$0x4] =	stream.indirect_vreg.gather [hbm4b:s2+s4], $0x80, v3, vm0, $0xb8;
	[tilespmem:$0x18100] =	vst v63  }
0x99: {  	_ = 	snop  }
0x9a: {  	[tilespmem:s20], [sflag:$0x4] =	stream.indirect_vreg.gather [hbm4b:s7+s4], $0x80, v3, vm0, $0xb8;
	[tilespmem:$0x18100] =	vst v63  }
0x9b: {  	_ = 	snop  }
0x9c: {  	[tilespmem:s21], [sflag:$0x4] =	stream.indirect_vreg.gather [hbm4b:s8+s4], $0x80, v3, vm0, $0xb8;
	[tilespmem:$0x18100] =	vst v63  }
0x9d: {  	v3 =	vld [tilespmem:s25+$0x0];
	_ =	sdelay $0x4  }
0x9e: {  	v63 =	vshrl.u32 v3, $0x3  }
0x9f: {  	v4 =	vmul.u32 $0x30, v63  }
0xa0: {  	v3 =	vand.u32 $0x7, v3  }
0xa1: {  	v3 =	vor.u32 v3, v4  }
0xa2: {  	v4 =	vperm.xlane v3, v0;
	_ =	sdelay $0x1  }
0xa3: {  	v4 =	vadd.s32 v1, v4;
	_ =	sdelay $0x3  }
0xa4: {  	v3 =	vperm.xlane v3, v2  }
0xa5: {  	[tilespmem:s22], [sflag:$0x4] =	stream.indirect_vreg.gather [hbm4b:s2+s4], $0x80, v4, vm0, $0xb8;
	[tilespmem:$0x18100] =	vst v63  }
0xa6: {  	v3 =	vadd.s32 v1, v3  }
0xa7: {  	[tilespmem:s23], [sflag:$0x4] =	stream.indirect_vreg.gather [hbm4b:s7+s4], $0x80, v4, vm0, $0xb8;
	[tilespmem:$0x18100] =	vst v63  }
0xa8: {  	_ = 	snop  }
0xa9: {  	[tilespmem:s24], [sflag:$0x4] =	stream.indirect_vreg.gather [hbm4b:s8+s4], $0x80, v4, vm0, $0xb8;
	[tilespmem:$0x18100] =	vst v63  }
0xaa: {  	_ = 	snop  }
0xab: {  	[tilespmem:s1], [sflag:$0x4] =	stream.indirect_vreg.gather [hbm4b:s2+s4], $0x80, v3, vm0, $0xb8;
	[tilespmem:$0x18100] =	vst v63  }
0xac: {  	s13 =	sor.u32 s5, s13  }
0xad: {  	[tilespmem:s14], [sflag:$0x4] =	stream.indirect_vreg.gather [hbm4b:s7+s4], $0x80, v3, vm0, $0xb8;
	[tilespmem:$0x18100] =	vst v63  }
0xae: {  	s13 =	sshrl.u32 s13, $0x3  }
0xaf: {  	[tilespmem:s15], [sflag:$0x4] =	stream.indirect_vreg.gather [hbm4b:s8+s4], $0x80, v3, vm0, $0xb8;
	[tilespmem:$0x18100] =	vst v63  }
0xb0: {  	s13 =	smul.u32 $0x300, s13;
	_ =	swait.ge [sflag:s26], $0x6000  }
0xb1: {  	[sflag:s26] =	ssyncset.done $0x0  }
0xb2: {  	s16 =	simm.s32 $0x100;
	s25 =	sadd.s32 s3, s13;
	[sflag:s26] =	ssyncadd.s32 $0xFFFFA000  }
0xb3: {  	[hbm4b:s25+s4] =	stream.linear.scatter [tilespmem:s16], [sflag:$0x5], $0x6000, $0x38;
	[tilespmem:$0x18100] =	vst v63  }
0xb4: {  	_ =	swait.ge [sflag:s28], $0x6000  }
0xb5: {  	[sflag:s28] =	ssyncset.done $0x0  }
0xb6: {  	[sflag:s28] =	ssyncadd.s32 $0xFFFFA000  }
0xb7: {  	v3 =	vld @!p1 [tilespmem:$0x80];
	_ =	sdelay $0x4  }
0xb8: {  	v4 =	vshrl.u32 @!p1 v3, $0x3  }
0xb9: {  	v4 =	vmul.u32 @!p1 $0x30, v4  }
0xba: {  	v5 =	vlaneseq.u32 @!p1;
	v3 =	vand.u32 @!p1 $0x7, v3  }
0xbb: {  	v6 =	vand.u32 @!p1 $0x7, v5;
	v4 =	vor.u32 @!p1 v3, v4;
	v3 =	vshrl.u32 @!p1 v5, $0x3  }
0xbc: {  	v7 =	vperm.xlane @!p1 v4, v6;
	v3 =	vmul.u32 @!p1 $0x8, v3;
	_ =	sdelay $0x1  }
0xbd: {  	v7 =	vadd.s32 @!p1 v3, v7;
	_ =	sdelay $0x2  }
0xbe: {  	v5 =	vor.u32 @!p1 $0x8, v5  }
0xbf: {  	vm1 =	vmmov @!p1 $0xffff;
	s18 =	simm.s32 @!p1 $0x100;
	s25 =	simm.s32 @!p1 $0x0;
	v4 =	vperm.xlane @!p1 v4, v5  }
0xc0: {  	[tilespmem:s18], [sflag:$0x1] =	stream.indirect_vreg.gather @!p1 [hbm4b:s2+s25], $0x80, v7, vm1, $0xb8;
	[tilespmem:$0x18100] =	vst v63  }
0xc1: {  	v4 =	vadd.s32 @!p1 v3, v4;
	s18 =	simm.s32 @!p1 $0x900  }
0xc2: {  	[tilespmem:s18], [sflag:$0x1] =	stream.indirect_vreg.gather @!p1 [hbm4b:s7+s25], $0x80, v7, vm1, $0xb8;
	[tilespmem:$0x18100] =	vst v63  }
0xc3: {  	s18 =	simm.s32 @!p1 $0x1100  }
0xc4: {  	[tilespmem:s18], [sflag:$0x1] =	stream.indirect_vreg.gather @!p1 [hbm4b:s8+s25], $0x80, v7, vm1, $0xb8;
	[tilespmem:$0x18100] =	vst v63  }
0xc5: {  	s18 =	simm.s32 @!p1 $0x1900  }
0xc6: {  	[tilespmem:s18], [sflag:$0x1] =	stream.indirect_vreg.gather @!p1 [hbm4b:s2+s25], $0x80, v4, vm1, $0xb8;
	[tilespmem:$0x18100] =	vst v63  }
0xc7: {  	s18 =	simm.s32 @!p1 $0x2100  }
0xc8: {  	[tilespmem:s18], [sflag:$0x1] =	stream.indirect_vreg.gather @!p1 [hbm4b:s7+s25], $0x80, v4, vm1, $0xb8;
	[tilespmem:$0x18100] =	vst v63  }
0xc9: {  	s18 =	simm.s32 @!p1 $0x2900  }
0xca: {  	[tilespmem:s18], [sflag:$0x1] =	stream.indirect_vreg.gather @!p1 [hbm4b:s8+s25], $0x80, v4, vm1, $0xb8;
	[tilespmem:$0x18100] =	vst v63  }
0xcb: {  	v4 =	vld @!p1 [tilespmem:$0x90];
	_ =	sdelay $0x4  }
0xcc: {  	v7 =	vshrl.u32 @!p1 v4, $0x3  }
0xcd: {  	v7 =	vmul.u32 @!p1 $0x30, v7  }
0xce: {  	v4 =	vand.u32 @!p1 $0x7, v4  }
0xcf: {  	v4 =	vor.u32 @!p1 v4, v7  }
0xd0: {  	v7 =	vperm.xlane @!p1 v4, v6;
	_ =	sdelay $0x1  }
0xd1: {  	v7 =	vadd.s32 @!p1 v3, v7;
	_ =	sdelay $0x3  }
0xd2: {  	s18 =	simm.s32 @!p1 $0x3100;
	v4 =	vperm.xlane @!p1 v4, v5  }
0xd3: {  	[tilespmem:s18], [sflag:$0x1] =	stream.indirect_vreg.gather @!p1 [hbm4b:s2+s25], $0x80, v7, vm1, $0xb8;
	[tilespmem:$0x18100] =	vst v63  }
0xd4: {  	v4 =	vadd.s32 @!p1 v3, v4;
	s18 =	simm.s32 @!p1 $0x3900  }
0xd5: {  	[tilespmem:s18], [sflag:$0x1] =	stream.indirect_vreg.gather @!p1 [hbm4b:s7+s25], $0x80, v7, vm1, $0xb8;
	[tilespmem:$0x18100] =	vst v63  }
0xd6: {  	s18 =	simm.s32 @!p1 $0x4100  }
0xd7: {  	[tilespmem:s18], [sflag:$0x1] =	stream.indirect_vreg.gather @!p1 [hbm4b:s8+s25], $0x80, v7, vm1, $0xb8;
	[tilespmem:$0x18100] =	vst v63  }
0xd8: {  	s18 =	simm.s32 @!p1 $0x4900  }
0xd9: {  	[tilespmem:s18], [sflag:$0x1] =	stream.indirect_vreg.gather @!p1 [hbm4b:s2+s25], $0x80, v4, vm1, $0xb8;
	[tilespmem:$0x18100] =	vst v63  }
0xda: {  	s18 =	simm.s32 @!p1 $0x5100  }
0xdb: {  	[tilespmem:s18], [sflag:$0x1] =	stream.indirect_vreg.gather @!p1 [hbm4b:s7+s25], $0x80, v4, vm1, $0xb8;
	[tilespmem:$0x18100] =	vst v63  }
0xdc: {  	s18 =	simm.s32 @!p1 $0x5900  }
0xdd: {  	[tilespmem:s18], [sflag:$0x1] =	stream.indirect_vreg.gather @!p1 [hbm4b:s8+s25], $0x80, v4, vm1, $0xb8;
	[tilespmem:$0x18100] =	vst v63  }
0xde: {  	_ =	swait.ge [sflag:s29], $0x6000  }
0xdf: {  	s16 =	sadd.s32 s13, s3;
	[sflag:s29] =	ssyncset.done $0x0  }
0xe0: {  	s18 =	sadd.s32 $0xC00, s16;
	s16 =	simm.s32 $0x6100;
	[sflag:s29] =	ssyncadd.s32 $0xFFFFA000  }
0xe1: {  	[hbm4b:s18+s4] =	stream.linear.scatter [tilespmem:s16], [sflag:$0x6], $0x6000, $0x38;
	[tilespmem:$0x18100] =	vst v63  }
0xe2: {  	_ =	swait.ge [sflag:s30], $0x6000  }
0xe3: {  	[sflag:s30] =	ssyncset.done $0x0  }
0xe4: {  	[sflag:s30] =	ssyncadd.s32 $0xFFFFA000  }
0xe5: {  	v4 =	vld @!p1 [tilespmem:$0xA0];
	_ =	sdelay $0x4  }
0xe6: {  	v7 =	vshrl.u32 @!p1 v4, $0x3  }
0xe7: {  	v7 =	vmul.u32 @!p1 $0x30, v7  }
0xe8: {  	v4 =	vand.u32 @!p1 $0x7, v4  }
0xe9: {  	v4 =	vor.u32 @!p1 v4, v7  }
0xea: {  	v7 =	vperm.xlane @!p1 v4, v6;
	_ =	sdelay $0x1  }
0xeb: {  	v7 =	vadd.s32 @!p1 v3, v7;
	_ =	sdelay $0x3  }
0xec: {  	s18 =	simm.s32 @!p1 $0x6100;
	v4 =	vperm.xlane @!p1 v4, v5  }
0xed: {  	[tilespmem:s18], [sflag:$0x2] =	stream.indirect_vreg.gather @!p1 [hbm4b:s2+s25], $0x80, v7, vm1, $0xb8;
	[tilespmem:$0x18100] =	vst v63  }
0xee: {  	v4 =	vadd.s32 @!p1 v3, v4;
	s18 =	simm.s32 @!p1 $0x6900  }
0xef: {  	[tilespmem:s18], [sflag:$0x2] =	stream.indirect_vreg.gather @!p1 [hbm4b:s7+s25], $0x80, v7, vm1, $0xb8;
	[tilespmem:$0x18100] =	vst v63  }
0xf0: {  	s18 =	simm.s32 @!p1 $0x7100  }
0xf1: {  	[tilespmem:s18], [sflag:$0x2] =	stream.indirect_vreg.gather @!p1 [hbm4b:s8+s25], $0x80, v7, vm1, $0xb8;
	[tilespmem:$0x18100] =	vst v63  }
0xf2: {  	s18 =	simm.s32 @!p1 $0x7900  }
0xf3: {  	[tilespmem:s18], [sflag:$0x2] =	stream.indirect_vreg.gather @!p1 [hbm4b:s2+s25], $0x80, v4, vm1, $0xb8;
	[tilespmem:$0x18100] =	vst v63  }
0xf4: {  	s18 =	simm.s32 @!p1 $0x8100  }
0xf5: {  	[tilespmem:s18], [sflag:$0x2] =	stream.indirect_vreg.gather @!p1 [hbm4b:s7+s25], $0x80, v4, vm1, $0xb8;
	[tilespmem:$0x18100] =	vst v63  }
0xf6: {  	s18 =	simm.s32 @!p1 $0x8900  }
0xf7: {  	[tilespmem:s18], [sflag:$0x2] =	stream.indirect_vreg.gather @!p1 [hbm4b:s8+s25], $0x80, v4, vm1, $0xb8;
	[tilespmem:$0x18100] =	vst v63  }
0xf8: {  	v4 =	vld @!p1 [tilespmem:$0xB0];
	_ =	sdelay $0x4  }
0xf9: {  	v7 =	vshrl.u32 @!p1 v4, $0x3  }
0xfa: {  	v7 =	vmul.u32 @!p1 $0x30, v7  }
0xfb: {  	v4 =	vand.u32 @!p1 $0x7, v4  }
0xfc: {  	v4 =	vor.u32 @!p1 v4, v7  }
0xfd: {  	v7 =	vperm.xlane @!p1 v4, v6;
	_ =	sdelay $0x1  }
0xfe: {  	v7 =	vadd.s32 @!p1 v3, v7;
	_ =	sdelay $0x3  }
0xff: {  	s18 =	simm.s32 @!p1 $0x9100;
	v4 =	vperm.xlane @!p1 v4, v5  }
0x100: {  	[tilespmem:s18], [sflag:$0x2] =	stream.indirect_vreg.gather @!p1 [hbm4b:s2+s25], $0x80, v7, vm1, $0xb8;
	[tilespmem:$0x18100] =	vst v63  }
0x101: {  	v4 =	vadd.s32 @!p1 v3, v4;
	s18 =	simm.s32 @!p1 $0x9900  }
0x102: {  	[tilespmem:s18], [sflag:$0x2] =	stream.indirect_vreg.gather @!p1 [hbm4b:s7+s25], $0x80, v7, vm1, $0xb8;
	[tilespmem:$0x18100] =	vst v63  }
0x103: {  	s18 =	simm.s32 @!p1 $0xA100  }
0x104: {  	[tilespmem:s18], [sflag:$0x2] =	stream.indirect_vreg.gather @!p1 [hbm4b:s8+s25], $0x80, v7, vm1, $0xb8;
	[tilespmem:$0x18100] =	vst v63  }
0x105: {  	s18 =	simm.s32 @!p1 $0xA900  }
0x106: {  	[tilespmem:s18], [sflag:$0x2] =	stream.indirect_vreg.gather @!p1 [hbm4b:s2+s25], $0x80, v4, vm1, $0xb8;
	[tilespmem:$0x18100] =	vst v63  }
0x107: {  	s18 =	simm.s32 @!p1 $0xB100  }
0x108: {  	[tilespmem:s18], [sflag:$0x2] =	stream.indirect_vreg.gather @!p1 [hbm4b:s7+s25], $0x80, v4, vm1, $0xb8;
	[tilespmem:$0x18100] =	vst v63  }
0x109: {  	s18 =	simm.s32 @!p1 $0xB900  }
0x10a: {  	[tilespmem:s18], [sflag:$0x2] =	stream.indirect_vreg.gather @!p1 [hbm4b:s8+s25], $0x80, v4, vm1, $0xb8;
	[tilespmem:$0x18100] =	vst v63  }
0x10b: {  	_ =	swait.ge [sflag:s31], $0x6000  }
0x10c: {  	[sflag:s31] =	ssyncset.done $0x0  }
0x10d: {  	s16 =	simm.s32 $0xC100;
	s18 =	sadd.s32 s10, s13;
	[sflag:s31] =	ssyncadd.s32 $0xFFFFA000  }
0x10e: {  	[hbm4b:s18+s4] =	stream.linear.scatter [tilespmem:s16], [sflag:$0x7], $0x6000, $0x38;
	[tilespmem:$0x18100] =	vst v63  }
0x10f: {  	_ =	swait.ge [sflag:s6], $0x6000  }
0x110: {  	[sflag:s6] =	ssyncset.done $0x0  }
0x111: {  	[sflag:s6] =	ssyncadd.s32 $0xFFFFA000  }
0x112: {  	v4 =	vld @!p1 [tilespmem:$0xC0];
	_ =	sdelay $0x4  }
0x113: {  	v7 =	vshrl.u32 @!p1 v4, $0x3  }
0x114: {  	v7 =	vmul.u32 @!p1 $0x30, v7  }
0x115: {  	v4 =	vand.u32 @!p1 $0x7, v4  }
0x116: {  	v4 =	vor.u32 @!p1 v4, v7  }
0x117: {  	v7 =	vperm.xlane @!p1 v4, v6;
	_ =	sdelay $0x1  }
0x118: {  	v7 =	vadd.s32 @!p1 v3, v7;
	_ =	sdelay $0x3  }
0x119: {  	s18 =	simm.s32 @!p1 $0xC100;
	v4 =	vperm.xlane @!p1 v4, v5  }
0x11a: {  	[tilespmem:s18], [sflag:$0x3] =	stream.indirect_vreg.gather @!p1 [hbm4b:s2+s25], $0x80, v7, vm1, $0xb8;
	[tilespmem:$0x18100] =	vst v63  }
0x11b: {  	v4 =	vadd.s32 @!p1 v3, v4;
	s18 =	simm.s32 @!p1 $0xC900  }
0x11c: {  	[tilespmem:s18], [sflag:$0x3] =	stream.indirect_vreg.gather @!p1 [hbm4b:s7+s25], $0x80, v7, vm1, $0xb8;
	[tilespmem:$0x18100] =	vst v63  }
0x11d: {  	s18 =	simm.s32 @!p1 $0xD100  }
0x11e: {  	[tilespmem:s18], [sflag:$0x3] =	stream.indirect_vreg.gather @!p1 [hbm4b:s8+s25], $0x80, v7, vm1, $0xb8;
	[tilespmem:$0x18100] =	vst v63  }
0x11f: {  	s18 =	simm.s32 @!p1 $0xD900  }
0x120: {  	[tilespmem:s18], [sflag:$0x3] =	stream.indirect_vreg.gather @!p1 [hbm4b:s2+s25], $0x80, v4, vm1, $0xb8;
	[tilespmem:$0x18100] =	vst v63  }
0x121: {  	s18 =	simm.s32 @!p1 $0xE100  }
0x122: {  	[tilespmem:s18], [sflag:$0x3] =	stream.indirect_vreg.gather @!p1 [hbm4b:s7+s25], $0x80, v4, vm1, $0xb8;
	[tilespmem:$0x18100] =	vst v63  }
0x123: {  	s18 =	simm.s32 @!p1 $0xE900  }
0x124: {  	[tilespmem:s18], [sflag:$0x3] =	stream.indirect_vreg.gather @!p1 [hbm4b:s8+s25], $0x80, v4, vm1, $0xb8;
	[tilespmem:$0x18100] =	vst v63  }
0x125: {  	v4 =	vld @!p1 [tilespmem:$0xD0];
	_ =	sdelay $0x4  }
0x126: {  	v7 =	vshrl.u32 @!p1 v4, $0x3  }
0x127: {  	v7 =	vmul.u32 @!p1 $0x30, v7  }
0x128: {  	v4 =	vand.u32 @!p1 $0x7, v4  }
0x129: {  	v4 =	vor.u32 @!p1 v4, v7  }
0x12a: {  	v6 =	vperm.xlane @!p1 v4, v6;
	_ =	sdelay $0x1  }
0x12b: {  	v6 =	vadd.s32 @!p1 v3, v6;
	_ =	sdelay $0x3  }
0x12c: {  	s18 =	simm.s32 @!p1 $0xF100;
	v4 =	vperm.xlane @!p1 v4, v5  }
0x12d: {  	[tilespmem:s18], [sflag:$0x3] =	stream.indirect_vreg.gather @!p1 [hbm4b:s2+s25], $0x80, v6, vm1, $0xb8;
	[tilespmem:$0x18100] =	vst v63  }
0x12e: {  	v3 =	vadd.s32 @!p1 v3, v4;
	s18 =	simm.s32 @!p1 $0xF900  }
0x12f: {  	[tilespmem:s18], [sflag:$0x3] =	stream.indirect_vreg.gather @!p1 [hbm4b:s7+s25], $0x80, v6, vm1, $0xb8;
	[tilespmem:$0x18100] =	vst v63  }
0x130: {  	s18 =	simm.s32 @!p1 $0x10100  }
0x131: {  	[tilespmem:s18], [sflag:$0x3] =	stream.indirect_vreg.gather @!p1 [hbm4b:s8+s25], $0x80, v6, vm1, $0xb8;
	[tilespmem:$0x18100] =	vst v63  }
0x132: {  	s18 =	simm.s32 @!p1 $0x10900  }
0x133: {  	[tilespmem:s18], [sflag:$0x3] =	stream.indirect_vreg.gather @!p1 [hbm4b:s2+s25], $0x80, v3, vm1, $0xb8;
	[tilespmem:$0x18100] =	vst v63  }
0x134: {  	s18 =	simm.s32 @!p1 $0x11100  }
0x135: {  	[tilespmem:s18], [sflag:$0x3] =	stream.indirect_vreg.gather @!p1 [hbm4b:s7+s25], $0x80, v3, vm1, $0xb8;
	[tilespmem:$0x18100] =	vst v63  }
0x136: {  	s18 =	simm.s32 @!p1 $0x11900  }
0x137: {  	[tilespmem:s18], [sflag:$0x3] =	stream.indirect_vreg.gather @!p1 [hbm4b:s8+s25], $0x80, v3, vm1, $0xb8;
	[tilespmem:$0x18100] =	vst v63  }
0x138: {  	_ =	swait.ge [sflag:s9], $0x6000  }
0x139: {  	p0 =	por p1, p1;
	[sflag:s9] =	ssyncset.done $0x0  }
.Ltmp0:
0x13a: {  	s13 =	sadd.s32 s11, s13;
	[sflag:s9] =	ssyncadd.s32 $0xFFFFA000;
	(pc) =	sbr.rel @!p0 .LBB2_2-.Ltmp0, $4  }
0x13b: {  	[hbm4b:s13+s4] =	stream.linear.scatter [tilespmem:s0], [sflag:$0x8], $0x6000, $0x38;
	[tilespmem:$0x18100] =	vst v63  }
0x13c: {  	_ =	swait.ge [sflag:s12], $0x6000  }
0x13d: {  	p1 =	por $0x1, $0x1;
	s25 =	simm.s32 $0xF0;
	[sflag:s12] =	ssyncset.done $0x0  }
0x13e: {  	s18 =	simm.s32 $0xE0;
	s13 =	simm.s32 $0x80;
	[sflag:s12] =	ssyncadd.s32 $0xFFFFA000  }
0x13f: {  	s16 =	rddreg [dreg:$0x6]  }
0x140: {  	s13 =	rddreg [dreg:$0x5];
	s16 =	sadd.s32 $0x1, s16  }
0x141: {  	p0 =	sne.s32 s16, s13  }
.Ltmp1:
0x142: {  	_ = 	snop;
	(pc) =	sbr.rel @p0 .LBB2_1-.Ltmp1, $2  }
0x143: {  	_ =	sdelay $0x2  }
0x144: {  	s1 =	simm.s32 $0x100;
	s14 =	simm.s32 $0x6100;
	s15 =	simm.s32 $0xC100  }
0x145: {  	_ =	sfence.sel $0x180000  }
0x146: {  	[bflag:$0x0] =	sbarrier.arrive $0xFFFF  }
0x147: {  	_ =	strace $0x90000047  }
0x148: {  	s0 =	stileid.u32;
	[bflag:$0x2] =	sbarrier.arrive $0xFFFF  }
0x149: {  	p0 =	sne.s32 s0, $0x0;
	s0 =	rddreg [dreg:$0x3]  }
0x14a: {  	s0 =	sadd.s32 @!p0 $0x100000, s0  }
0x14b: {  	[sflag:s0] =	ssyncadd.tile.s32 @!p0 $0x1;
	_ =	shalt  }
.Lfunc_end2:
_tile_overlayer_lowered:
.L_overlay_start_2:
0x14c: {  	(tag) =	ssettag $0x2  }
0x14d: {  	s0 =	rddreg [dreg:$0x0];
	s2 =	stileid.u32  }
0x14e: {  	s1 =	rddreg [dreg:$0x1];
	p0 =	sne.s32 s2, $0x0  }
0x14f: {  	s3 =	rddreg [dreg:$0x2];
	[bflag:$0x3] =	sbarrier.arrive $0xFFFF;
	s2 =	simm.s32 @!p0 $0x1C09  }
0x150: {  	[timem:s3], [sflag:s2] =	dma.local @!p0 [hbm:s0], s1  }
0x151: {  	s0 =	simm.s32 @!p0 $0x9  }
0x152: {  	_ =	swait.ge @!p0 [sflag:s0], s1  }
0x153: {  	s1 =	ssub.s32 @!p0 $0x0, s1;
	[sflag:s0] =	ssyncset.done @!p0 $0x0  }
0x154: {  	[sflag:s0] =	ssyncadd.s32 @!p0 s1  }
0x155: {  	[bflag:$0x3] =	sbarrier.arrive $0xFFFF  }
0x156: {  	_ =	shalt  }

</sc_bundles>
